<compile_context>
chip_gen: v7x
topology: tpu7x:2x2x1
jax: 0.10.2.dev20260603
libtpu: 0.0.44.dev20260713+nightly
codegen_flags: <defaults>
</compile_context>

<pallas_src>
import functools

import jax
import jax.numpy as jnp
from jax import lax
from jax.experimental import pallas as pl
from jax.experimental.pallas import tpu as pltpu
from jax.experimental.pallas import tpu_sc as plsc

_EMB = 64
_H = 256
_NUM_LABEL = 128
_B = 4096
_L = 200

_VROWS = 1000001
_TCHUNK = 16384
_TGRID = (_VROWS + _TCHUNK - 1) // _TCHUNK
_VPAD = _TGRID * _TCHUNK

_NC, _NS = 2, 16
_NW = _NC * _NS
_BPW = _B // _NW
_NBUF = 8
_NGROUPS = _L // _NBUF
_LANES = 16


def _relayout_tc(embT):

  def body(i_ref, o_ref):
    t = i_ref[...]
    eye = jnp.eye(_EMB, dtype=jnp.float32)
    s = _TCHUNK // 8
    a1 = t[:, :s].T
    a2 = jax.lax.dot_general(t[:, s:], eye, (((0,), (0,)), ((), ())),
                             preferred_element_type=jnp.float32)
    a = jnp.concatenate([a1, a2], axis=0)
    h = _TCHUNK // 2
    o_ref[...] = jnp.concatenate([a[:h, :], a[h:, :]], axis=1)

  rows = _TCHUNK // 2
  return pl.pallas_call(
      body,
      grid=(_TGRID,),
      in_specs=[pl.BlockSpec((_EMB, _TCHUNK), lambda i: (0, i))],
      out_specs=pl.BlockSpec((rows, 128), lambda i: (i, 0)),
      out_shape=jax.ShapeDtypeStruct((_TGRID * rows, 128), jnp.float32),
  )(embT)


def _pool_sc(xT, emb):
  mesh = plsc.VectorSubcoreMesh(core_axis_name="c", subcore_axis_name="s")

  @functools.partial(
      pl.kernel,
      out_type=jax.ShapeDtypeStruct((_B, _EMB), jnp.float32),
      mesh=mesh,
      scratch_types=[
          pltpu.VMEM((_L, _BPW), jnp.int32),
          [pltpu.VMEM((_BPW, _EMB), jnp.float32) for _ in range(_NBUF)],
          pltpu.SemaphoreType.DMA,
      ],
      compiler_params=pltpu.CompilerParams(use_tc_tiling_on_sc=False),
  )
  def pool(xT_hbm, emb_hbm, out_hbm, idx_v, bufs, sem):
    wid = lax.axis_index("s") * _NC + lax.axis_index("c")
    base = wid * _BPW
    pltpu.sync_copy(xT_hbm.at[:, pl.ds(base, _BPW)], idx_v)

    cps = [pltpu.async_copy(emb_hbm.at[idx_v.at[j]], bufs[j], sem)
           for j in range(_NBUF)]
    for c in cps:
      c.wait()

    def group(g, carry):
      p0 = g * _NBUF
      cs = [pltpu.async_copy(emb_hbm.at[idx_v.at[p0 + j]], bufs[j], sem,
                             add=True)
            for j in range(_NBUF)]
      for c in cs:
        c.wait()
      return carry

    lax.fori_loop(1, _NGROUPS, group, 0)

    def merge_row(r, carry):
      for d in range(_EMB // _LANES):
        s = bufs[0][r, pl.ds(d * _LANES, _LANES)]
        for j in range(1, _NBUF):
          s = s + bufs[j][r, pl.ds(d * _LANES, _LANES)]
        bufs[0][r, pl.ds(d * _LANES, _LANES)] = s
      return carry

    lax.fori_loop(0, _BPW, merge_row, 0)
    pltpu.sync_copy(bufs[0], out_hbm.at[pl.ds(base, _BPW)])

  return pool(xT, emb)


def _mlp_tc(pooled, W1, b1, W2, b2):
  blk = 1024

  def body(p_ref, w1_ref, b1_ref, w2_ref, b2_ref, o_ref):
    p = p_ref[...]
    h = jnp.dot(p, w1_ref[...], preferred_element_type=jnp.float32)
    h = h * (1.0 / _L) + b1_ref[...]
    z = jnp.dot(h, w2_ref[...], preferred_element_type=jnp.float32)
    z = z + b2_ref[...]
    o_ref[...] = jax.nn.sigmoid(z)

  return pl.pallas_call(
      body,
      grid=(_B // blk,),
      in_specs=[
          pl.BlockSpec((blk, _EMB), lambda i: (i, 0)),
          pl.BlockSpec((_EMB, _H), lambda i: (0, 0)),
          pl.BlockSpec((1, _H), lambda i: (0, 0)),
          pl.BlockSpec((_H, _NUM_LABEL), lambda i: (0, 0)),
          pl.BlockSpec((1, _NUM_LABEL), lambda i: (0, 0)),
      ],
      out_specs=pl.BlockSpec((blk, _NUM_LABEL), lambda i: (i, 0)),
      out_shape=jax.ShapeDtypeStruct((_B, _NUM_LABEL), jnp.float32),
  )(pooled, W1, b1.reshape(1, _H), W2, b2.reshape(1, _NUM_LABEL))


def kernel(x, emb, W1, b1, W2, b2):
  emb_lin = _relayout_tc(emb.T).reshape(_VPAD, _EMB)
  h = _TCHUNK // 2
  hbits = h.bit_length() - 1
  xw = (x & -_TCHUNK) | ((x & (h - 1)) << 1) | ((x >> hbits) & 1)
  pooled = _pool_sc(xw.T, emb_lin)
  return _mlp_tc(pooled, W1, b1, W2, b2)

# --- scband reference (transcript-rebuilt; emitter-appended) ---
"""Pipeline reference for scband-fast-text-27865747816734 (READ-ONLY COPY).

The authoritative reference and input builder live on the scoring server;
editing this copy changes nothing except your own understanding.
"""

import jax, jax.numpy as jnp
import numpy as np

VOCAB = 1000000
EMB = 64
H = 256
NUM_LABEL = 128
B = 4096
L = 200

def setup_inputs(seed: int = 0) -> dict:
    key = jax.random.key(seed)
    k1, k2, k3, k4, k5, k6 = jax.random.split(key, 6)
    x = jax.random.randint(k1, (B, L), 0, VOCAB + 1, dtype=jnp.int64 if jax.config.jax_enable_x64 else jnp.int32).astype(jnp.int32)
    emb = jax.random.normal(k2, (VOCAB + 1, EMB), dtype=jnp.float32) * 0.02
    emb = emb.at[0].set(0.0)  # padding_idx=0
    W1 = jax.random.normal(k3, (EMB, H), dtype=jnp.float32) * (1.0 / np.sqrt(EMB))
    b1 = jax.random.normal(k4, (H,), dtype=jnp.float32) * 0.01
    W2 = jax.random.normal(k5, (H, NUM_LABEL), dtype=jnp.float32) * (1.0 / np.sqrt(H))
    b2 = jax.random.normal(k6, (NUM_LABEL,), dtype=jnp.float32) * 0.01
    return {"x": x, "emb": emb, "W1": W1, "b1": b1, "W2": W2, "b2": b2}

def reference(x, emb, W1, b1, W2, b2):
    # x: int32[B, L] token ids; emb: float32[VOCAB+1, EMB] with row 0 as padding
    e = jnp.take(emb, x, axis=0)          # [B, L, EMB] gather (embedding lookup)
    pooled = e.mean(axis=1)               # [B, EMB]
    h = pooled @ W1 + b1                  # fc1
    # dropout p=0.0 -> identity (eval mode)
    z = h @ W2 + b2                       # fc2
    return jax.nn.sigmoid(z)              # [B, NUM_LABEL]

if __name__ == "__main__":
    import jax
    _d = setup_inputs()
    print(jax.jit(kernel)(*tuple(_d.values())))

</pallas_src>

<mosaic_0001>
#map = affine_map<(d0, d1) -> (0, 0)>
module attributes {stable_mosaic.version = 14 : i64} {
  func.func @pool(%arg0: i32, %arg1: i32, %arg2: memref<200x4096xi32, #tpu.memory_space<hbm>>, %arg3: memref<1015808x64xf32, #tpu.memory_space<hbm>>, %arg4: memref<4096x64xf32, #tpu.memory_space<hbm>>, %arg5: memref<200x128xi32, #tpu.memory_space<vmem>>, %arg6: memref<128x64xf32, #tpu.memory_space<vmem>>, %arg7: memref<128x64xf32, #tpu.memory_space<vmem>>, %arg8: memref<128x64xf32, #tpu.memory_space<vmem>>, %arg9: memref<128x64xf32, #tpu.memory_space<vmem>>, %arg10: memref<128x64xf32, #tpu.memory_space<vmem>>, %arg11: memref<128x64xf32, #tpu.memory_space<vmem>>, %arg12: memref<128x64xf32, #tpu.memory_space<vmem>>, %arg13: memref<128x64xf32, #tpu.memory_space<vmem>>, %arg14: memref<!tpu.dma_semaphore, #tpu.memory_space<semaphore_mem>>) attributes {dimension_semantics = [#tpu.dimension_semantics<core_parallel>, #tpu.dimension_semantics<subcore_parallel>], iteration_bounds = array<i64: 2, 16>, scalar_prefetch = 0 : i64, scratch_operands = 10 : i64, tpu.core_type = #tpu.core_type<sc_vector_subcore>, window_params = [{transform_indices = #map}, {transform_indices = #map}, {transform_indices = #map}]} {
    %mul3A = arith.constant 2 : i32
    %mul3A_0 = arith.muli %arg1, %mul3A : i32
    %add3A = arith.addi %mul3A_0, %arg0 : i32
    %mul3A_1 = arith.constant 128 : i32
    %mul3A_2 = arith.muli %add3A, %mul3A_1 : i32
    "tpu.region"() ({
      %run_scoped3A = tpu.sem_alloc : memref<!tpu.dma_semaphore, #tpu.memory_space<semaphore_mem>>
      %dma_start3A_124 = arith.constant 0 : i32
      %dma_start3A_125 = tpu.memref_slice %arg2[%dma_start3A_124, %mul3A_2] : memref<200x4096xi32, #tpu.memory_space<hbm>> -> memref<200x128xi32, #tpu.memory_space<hbm>>
      %dma_start3A_126 = arith.constant 0 : i32
      %dma_start3A_127 = tpu.memref_slice %arg2[%dma_start3A_126, %mul3A_2] : memref<200x4096xi32, #tpu.memory_space<hbm>> -> memref<200x128xi32, #tpu.memory_space<hbm>>
      tpu.enqueue_dma source(%dma_start3A_127 : memref<200x128xi32, #tpu.memory_space<hbm>>) target(%arg5 : memref<200x128xi32, #tpu.memory_space<vmem>>) target_semaphore(%run_scoped3A : memref<!tpu.dma_semaphore, #tpu.memory_space<semaphore_mem>>)
      %dma_wait3A_128 = arith.constant 0 : i32
      %dma_wait3A_129 = tpu.memref_slice %arg2[%dma_wait3A_128, %mul3A_2] : memref<200x4096xi32, #tpu.memory_space<hbm>> -> memref<200x128xi32, #tpu.memory_space<hbm>>
      %dma_wait3A_130 = arith.constant 0 : i32
      %dma_wait3A_131 = tpu.memref_slice %arg2[%dma_wait3A_130, %mul3A_2] : memref<200x4096xi32, #tpu.memory_space<hbm>> -> memref<200x128xi32, #tpu.memory_space<hbm>>
      tpu.wait_dma2 semaphore(%run_scoped3A : memref<!tpu.dma_semaphore, #tpu.memory_space<semaphore_mem>>) src(%dma_wait3A_131 : memref<200x128xi32, #tpu.memory_space<hbm>>) dst(%arg5 : memref<200x128xi32, #tpu.memory_space<vmem>>)
      tpu.yield
    }) : () -> ()
    %dma_start3A = arith.constant 0 : i32
    %dma_start3A_3 = arith.constant 0 : i32
    %dma_start3A_4 = tpu.memref_slice %arg5[%dma_start3A, %dma_start3A_3] : memref<200x128xi32, #tpu.memory_space<vmem>> -> memref<1x128xi32, #tpu.memory_space<vmem>>
    %dma_start3A_5 = tpu.memref_squeeze %dma_start3A_4 : memref<1x128xi32, #tpu.memory_space<vmem>> -> memref<128xi32, #tpu.memory_space<vmem>>
    %dma_start3A_6 = arith.constant 0 : i32
    %dma_start3A_7 = arith.constant 0 : i32
    %dma_start3A_8 = tpu.memref_slice %arg3[%dma_start3A_6, %dma_start3A_7] : memref<1015808x64xf32, #tpu.memory_space<hbm>> -> memref<1015808x64xf32, #tpu.memory_space<hbm>>
    tpu.enqueue_indirect_dma source(%dma_start3A_8 : memref<1015808x64xf32, #tpu.memory_space<hbm>>) target(%arg6 : memref<128x64xf32, #tpu.memory_space<vmem>>) offsets(%dma_start3A_5 : memref<128xi32, #tpu.memory_space<vmem>>) semaphore(%arg14 : memref<!tpu.dma_semaphore, #tpu.memory_space<semaphore_mem>>)
    %dma_start3A_9 = arith.constant 1 : i32
    %dma_start3A_10 = arith.constant 0 : i32
    %dma_start3A_11 = tpu.memref_slice %arg5[%dma_start3A_9, %dma_start3A_10] : memref<200x128xi32, #tpu.memory_space<vmem>> -> memref<1x128xi32, #tpu.memory_space<vmem>>
    %dma_start3A_12 = tpu.memref_squeeze %dma_start3A_11 : memref<1x128xi32, #tpu.memory_space<vmem>> -> memref<128xi32, #tpu.memory_space<vmem>>
    %dma_start3A_13 = arith.constant 0 : i32
    %dma_start3A_14 = arith.constant 0 : i32
    %dma_start3A_15 = tpu.memref_slice %arg3[%dma_start3A_13, %dma_start3A_14] : memref<1015808x64xf32, #tpu.memory_space<hbm>> -> memref<1015808x64xf32, #tpu.memory_space<hbm>>
    tpu.enqueue_indirect_dma source(%dma_start3A_15 : memref<1015808x64xf32, #tpu.memory_space<hbm>>) target(%arg7 : memref<128x64xf32, #tpu.memory_space<vmem>>) offsets(%dma_start3A_12 : memref<128xi32, #tpu.memory_space<vmem>>) semaphore(%arg14 : memref<!tpu.dma_semaphore, #tpu.memory_space<semaphore_mem>>)
    %dma_start3A_16 = arith.constant 2 : i32
    %dma_start3A_17 = arith.constant 0 : i32
    %dma_start3A_18 = tpu.memref_slice %arg5[%dma_start3A_16, %dma_start3A_17] : memref<200x128xi32, #tpu.memory_space<vmem>> -> memref<1x128xi32, #tpu.memory_space<vmem>>
    %dma_start3A_19 = tpu.memref_squeeze %dma_start3A_18 : memref<1x128xi32, #tpu.memory_space<vmem>> -> memref<128xi32, #tpu.memory_space<vmem>>
    %dma_start3A_20 = arith.constant 0 : i32
    %dma_start3A_21 = arith.constant 0 : i32
    %dma_start3A_22 = tpu.memref_slice %arg3[%dma_start3A_20, %dma_start3A_21] : memref<1015808x64xf32, #tpu.memory_space<hbm>> -> memref<1015808x64xf32, #tpu.memory_space<hbm>>
    tpu.enqueue_indirect_dma source(%dma_start3A_22 : memref<1015808x64xf32, #tpu.memory_space<hbm>>) target(%arg8 : memref<128x64xf32, #tpu.memory_space<vmem>>) offsets(%dma_start3A_19 : memref<128xi32, #tpu.memory_space<vmem>>) semaphore(%arg14 : memref<!tpu.dma_semaphore, #tpu.memory_space<semaphore_mem>>)
    %dma_start3A_23 = arith.constant 3 : i32
    %dma_start3A_24 = arith.constant 0 : i32
    %dma_start3A_25 = tpu.memref_slice %arg5[%dma_start3A_23, %dma_start3A_24] : memref<200x128xi32, #tpu.memory_space<vmem>> -> memref<1x128xi32, #tpu.memory_space<vmem>>
    %dma_start3A_26 = tpu.memref_squeeze %dma_start3A_25 : memref<1x128xi32, #tpu.memory_space<vmem>> -> memref<128xi32, #tpu.memory_space<vmem>>
    %dma_start3A_27 = arith.constant 0 : i32
    %dma_start3A_28 = arith.constant 0 : i32
    %dma_start3A_29 = tpu.memref_slice %arg3[%dma_start3A_27, %dma_start3A_28] : memref<1015808x64xf32, #tpu.memory_space<hbm>> -> memref<1015808x64xf32, #tpu.memory_space<hbm>>
    tpu.enqueue_indirect_dma source(%dma_start3A_29 : memref<1015808x64xf32, #tpu.memory_space<hbm>>) target(%arg9 : memref<128x64xf32, #tpu.memory_space<vmem>>) offsets(%dma_start3A_26 : memref<128xi32, #tpu.memory_space<vmem>>) semaphore(%arg14 : memref<!tpu.dma_semaphore, #tpu.memory_space<semaphore_mem>>)
    %dma_start3A_30 = arith.constant 4 : i32
    %dma_start3A_31 = arith.constant 0 : i32
    %dma_start3A_32 = tpu.memref_slice %arg5[%dma_start3A_30, %dma_start3A_31] : memref<200x128xi32, #tpu.memory_space<vmem>> -> memref<1x128xi32, #tpu.memory_space<vmem>>
    %dma_start3A_33 = tpu.memref_squeeze %dma_start3A_32 : memref<1x128xi32, #tpu.memory_space<vmem>> -> memref<128xi32, #tpu.memory_space<vmem>>
    %dma_start3A_34 = arith.constant 0 : i32
    %dma_start3A_35 = arith.constant 0 : i32
    %dma_start3A_36 = tpu.memref_slice %arg3[%dma_start3A_34, %dma_start3A_35] : memref<1015808x64xf32, #tpu.memory_space<hbm>> -> memref<1015808x64xf32, #tpu.memory_space<hbm>>
    tpu.enqueue_indirect_dma source(%dma_start3A_36 : memref<1015808x64xf32, #tpu.memory_space<hbm>>) target(%arg10 : memref<128x64xf32, #tpu.memory_space<vmem>>) offsets(%dma_start3A_33 : memref<128xi32, #tpu.memory_space<vmem>>) semaphore(%arg14 : memref<!tpu.dma_semaphore, #tpu.memory_space<semaphore_mem>>)
    %dma_start3A_37 = arith.constant 5 : i32
    %dma_start3A_38 = arith.constant 0 : i32
    %dma_start3A_39 = tpu.memref_slice %arg5[%dma_start3A_37, %dma_start3A_38] : memref<200x128xi32, #tpu.memory_space<vmem>> -> memref<1x128xi32, #tpu.memory_space<vmem>>
    %dma_start3A_40 = tpu.memref_squeeze %dma_start3A_39 : memref<1x128xi32, #tpu.memory_space<vmem>> -> memref<128xi32, #tpu.memory_space<vmem>>
    %dma_start3A_41 = arith.constant 0 : i32
    %dma_start3A_42 = arith.constant 0 : i32
    %dma_start3A_43 = tpu.memref_slice %arg3[%dma_start3A_41, %dma_start3A_42] : memref<1015808x64xf32, #tpu.memory_space<hbm>> -> memref<1015808x64xf32, #tpu.memory_space<hbm>>
    tpu.enqueue_indirect_dma source(%dma_start3A_43 : memref<1015808x64xf32, #tpu.memory_space<hbm>>) target(%arg11 : memref<128x64xf32, #tpu.memory_space<vmem>>) offsets(%dma_start3A_40 : memref<128xi32, #tpu.memory_space<vmem>>) semaphore(%arg14 : memref<!tpu.dma_semaphore, #tpu.memory_space<semaphore_mem>>)
    %dma_start3A_44 = arith.constant 6 : i32
    %dma_start3A_45 = arith.constant 0 : i32
    %dma_start3A_46 = tpu.memref_slice %arg5[%dma_start3A_44, %dma_start3A_45] : memref<200x128xi32, #tpu.memory_space<vmem>> -> memref<1x128xi32, #tpu.memory_space<vmem>>
    %dma_start3A_47 = tpu.memref_squeeze %dma_start3A_46 : memref<1x128xi32, #tpu.memory_space<vmem>> -> memref<128xi32, #tpu.memory_space<vmem>>
    %dma_start3A_48 = arith.constant 0 : i32
    %dma_start3A_49 = arith.constant 0 : i32
    %dma_start3A_50 = tpu.memref_slice %arg3[%dma_start3A_48, %dma_start3A_49] : memref<1015808x64xf32, #tpu.memory_space<hbm>> -> memref<1015808x64xf32, #tpu.memory_space<hbm>>
    tpu.enqueue_indirect_dma source(%dma_start3A_50 : memref<1015808x64xf32, #tpu.memory_space<hbm>>) target(%arg12 : memref<128x64xf32, #tpu.memory_space<vmem>>) offsets(%dma_start3A_47 : memref<128xi32, #tpu.memory_space<vmem>>) semaphore(%arg14 : memref<!tpu.dma_semaphore, #tpu.memory_space<semaphore_mem>>)
    %dma_start3A_51 = arith.constant 7 : i32
    %dma_start3A_52 = arith.constant 0 : i32
    %dma_start3A_53 = tpu.memref_slice %arg5[%dma_start3A_51, %dma_start3A_52] : memref<200x128xi32, #tpu.memory_space<vmem>> -> memref<1x128xi32, #tpu.memory_space<vmem>>
    %dma_start3A_54 = tpu.memref_squeeze %dma_start3A_53 : memref<1x128xi32, #tpu.memory_space<vmem>> -> memref<128xi32, #tpu.memory_space<vmem>>
    %dma_start3A_55 = arith.constant 0 : i32
    %dma_start3A_56 = arith.constant 0 : i32
    %dma_start3A_57 = tpu.memref_slice %arg3[%dma_start3A_55, %dma_start3A_56] : memref<1015808x64xf32, #tpu.memory_space<hbm>> -> memref<1015808x64xf32, #tpu.memory_space<hbm>>
    tpu.enqueue_indirect_dma source(%dma_start3A_57 : memref<1015808x64xf32, #tpu.memory_space<hbm>>) target(%arg13 : memref<128x64xf32, #tpu.memory_space<vmem>>) offsets(%dma_start3A_54 : memref<128xi32, #tpu.memory_space<vmem>>) semaphore(%arg14 : memref<!tpu.dma_semaphore, #tpu.memory_space<semaphore_mem>>)
    %dma_wait3A = arith.constant 0 : i32
    %dma_wait3A_58 = arith.constant 0 : i32
    %dma_wait3A_59 = tpu.memref_slice %arg5[%dma_wait3A, %dma_wait3A_58] : memref<200x128xi32, #tpu.memory_space<vmem>> -> memref<1x128xi32, #tpu.memory_space<vmem>>
    %dma_wait3A_60 = tpu.memref_squeeze %dma_wait3A_59 : memref<1x128xi32, #tpu.memory_space<vmem>> -> memref<128xi32, #tpu.memory_space<vmem>>
    %dma_wait3A_61 = arith.constant 0 : i32
    %dma_wait3A_62 = arith.constant 0 : i32
    %dma_wait3A_63 = tpu.memref_slice %arg3[%dma_wait3A_61, %dma_wait3A_62] : memref<1015808x64xf32, #tpu.memory_space<hbm>> -> memref<1015808x64xf32, #tpu.memory_space<hbm>>
    tpu.wait_indirect_dma semaphore(%arg14 : memref<!tpu.dma_semaphore, #tpu.memory_space<semaphore_mem>>) src(%dma_wait3A_63 : memref<1015808x64xf32, #tpu.memory_space<hbm>>) dst(%arg6 : memref<128x64xf32, #tpu.memory_space<vmem>>)
    %dma_wait3A_64 = arith.constant 1 : i32
    %dma_wait3A_65 = arith.constant 0 : i32
    %dma_wait3A_66 = tpu.memref_slice %arg5[%dma_wait3A_64, %dma_wait3A_65] : memref<200x128xi32, #tpu.memory_space<vmem>> -> memref<1x128xi32, #tpu.memory_space<vmem>>
    %dma_wait3A_67 = tpu.memref_squeeze %dma_wait3A_66 : memref<1x128xi32, #tpu.memory_space<vmem>> -> memref<128xi32, #tpu.memory_space<vmem>>
    %dma_wait3A_68 = arith.constant 0 : i32
    %dma_wait3A_69 = arith.constant 0 : i32
    %dma_wait3A_70 = tpu.memref_slice %arg3[%dma_wait3A_68, %dma_wait3A_69] : memref<1015808x64xf32, #tpu.memory_space<hbm>> -> memref<1015808x64xf32, #tpu.memory_space<hbm>>
    tpu.wait_indirect_dma semaphore(%arg14 : memref<!tpu.dma_semaphore, #tpu.memory_space<semaphore_mem>>) src(%dma_wait3A_70 : memref<1015808x64xf32, #tpu.memory_space<hbm>>) dst(%arg7 : memref<128x64xf32, #tpu.memory_space<vmem>>)
    %dma_wait3A_71 = arith.constant 2 : i32
    %dma_wait3A_72 = arith.constant 0 : i32
    %dma_wait3A_73 = tpu.memref_slice %arg5[%dma_wait3A_71, %dma_wait3A_72] : memref<200x128xi32, #tpu.memory_space<vmem>> -> memref<1x128xi32, #tpu.memory_space<vmem>>
    %dma_wait3A_74 = tpu.memref_squeeze %dma_wait3A_73 : memref<1x128xi32, #tpu.memory_space<vmem>> -> memref<128xi32, #tpu.memory_space<vmem>>
    %dma_wait3A_75 = arith.constant 0 : i32
    %dma_wait3A_76 = arith.constant 0 : i32
    %dma_wait3A_77 = tpu.memref_slice %arg3[%dma_wait3A_75, %dma_wait3A_76] : memref<1015808x64xf32, #tpu.memory_space<hbm>> -> memref<1015808x64xf32, #tpu.memory_space<hbm>>
    tpu.wait_indirect_dma semaphore(%arg14 : memref<!tpu.dma_semaphore, #tpu.memory_space<semaphore_mem>>) src(%dma_wait3A_77 : memref<1015808x64xf32, #tpu.memory_space<hbm>>) dst(%arg8 : memref<128x64xf32, #tpu.memory_space<vmem>>)
    %dma_wait3A_78 = arith.constant 3 : i32
    %dma_wait3A_79 = arith.constant 0 : i32
    %dma_wait3A_80 = tpu.memref_slice %arg5[%dma_wait3A_78, %dma_wait3A_79] : memref<200x128xi32, #tpu.memory_space<vmem>> -> memref<1x128xi32, #tpu.memory_space<vmem>>
    %dma_wait3A_81 = tpu.memref_squeeze %dma_wait3A_80 : memref<1x128xi32, #tpu.memory_space<vmem>> -> memref<128xi32, #tpu.memory_space<vmem>>
    %dma_wait3A_82 = arith.constant 0 : i32
    %dma_wait3A_83 = arith.constant 0 : i32
    %dma_wait3A_84 = tpu.memref_slice %arg3[%dma_wait3A_82, %dma_wait3A_83] : memref<1015808x64xf32, #tpu.memory_space<hbm>> -> memref<1015808x64xf32, #tpu.memory_space<hbm>>
    tpu.wait_indirect_dma semaphore(%arg14 : memref<!tpu.dma_semaphore, #tpu.memory_space<semaphore_mem>>) src(%dma_wait3A_84 : memref<1015808x64xf32, #tpu.memory_space<hbm>>) dst(%arg9 : memref<128x64xf32, #tpu.memory_space<vmem>>)
    %dma_wait3A_85 = arith.constant 4 : i32
    %dma_wait3A_86 = arith.constant 0 : i32
    %dma_wait3A_87 = tpu.memref_slice %arg5[%dma_wait3A_85, %dma_wait3A_86] : memref<200x128xi32, #tpu.memory_space<vmem>> -> memref<1x128xi32, #tpu.memory_space<vmem>>
    %dma_wait3A_88 = tpu.memref_squeeze %dma_wait3A_87 : memref<1x128xi32, #tpu.memory_space<vmem>> -> memref<128xi32, #tpu.memory_space<vmem>>
    %dma_wait3A_89 = arith.constant 0 : i32
    %dma_wait3A_90 = arith.constant 0 : i32
    %dma_wait3A_91 = tpu.memref_slice %arg3[%dma_wait3A_89, %dma_wait3A_90] : memref<1015808x64xf32, #tpu.memory_space<hbm>> -> memref<1015808x64xf32, #tpu.memory_space<hbm>>
    tpu.wait_indirect_dma semaphore(%arg14 : memref<!tpu.dma_semaphore, #tpu.memory_space<semaphore_mem>>) src(%dma_wait3A_91 : memref<1015808x64xf32, #tpu.memory_space<hbm>>) dst(%arg10 : memref<128x64xf32, #tpu.memory_space<vmem>>)
    %dma_wait3A_92 = arith.constant 5 : i32
    %dma_wait3A_93 = arith.constant 0 : i32
    %dma_wait3A_94 = tpu.memref_slice %arg5[%dma_wait3A_92, %dma_wait3A_93] : memref<200x128xi32, #tpu.memory_space<vmem>> -> memref<1x128xi32, #tpu.memory_space<vmem>>
    %dma_wait3A_95 = tpu.memref_squeeze %dma_wait3A_94 : memref<1x128xi32, #tpu.memory_space<vmem>> -> memref<128xi32, #tpu.memory_space<vmem>>
    %dma_wait3A_96 = arith.constant 0 : i32
    %dma_wait3A_97 = arith.constant 0 : i32
    %dma_wait3A_98 = tpu.memref_slice %arg3[%dma_wait3A_96, %dma_wait3A_97] : memref<1015808x64xf32, #tpu.memory_space<hbm>> -> memref<1015808x64xf32, #tpu.memory_space<hbm>>
    tpu.wait_indirect_dma semaphore(%arg14 : memref<!tpu.dma_semaphore, #tpu.memory_space<semaphore_mem>>) src(%dma_wait3A_98 : memref<1015808x64xf32, #tpu.memory_space<hbm>>) dst(%arg11 : memref<128x64xf32, #tpu.memory_space<vmem>>)
    %dma_wait3A_99 = arith.constant 6 : i32
    %dma_wait3A_100 = arith.constant 0 : i32
    %dma_wait3A_101 = tpu.memref_slice %arg5[%dma_wait3A_99, %dma_wait3A_100] : memref<200x128xi32, #tpu.memory_space<vmem>> -> memref<1x128xi32, #tpu.memory_space<vmem>>
    %dma_wait3A_102 = tpu.memref_squeeze %dma_wait3A_101 : memref<1x128xi32, #tpu.memory_space<vmem>> -> memref<128xi32, #tpu.memory_space<vmem>>
    %dma_wait3A_103 = arith.constant 0 : i32
    %dma_wait3A_104 = arith.constant 0 : i32
    %dma_wait3A_105 = tpu.memref_slice %arg3[%dma_wait3A_103, %dma_wait3A_104] : memref<1015808x64xf32, #tpu.memory_space<hbm>> -> memref<1015808x64xf32, #tpu.memory_space<hbm>>
    tpu.wait_indirect_dma semaphore(%arg14 : memref<!tpu.dma_semaphore, #tpu.memory_space<semaphore_mem>>) src(%dma_wait3A_105 : memref<1015808x64xf32, #tpu.memory_space<hbm>>) dst(%arg12 : memref<128x64xf32, #tpu.memory_space<vmem>>)
    %dma_wait3A_106 = arith.constant 7 : i32
    %dma_wait3A_107 = arith.constant 0 : i32
    %dma_wait3A_108 = tpu.memref_slice %arg5[%dma_wait3A_106, %dma_wait3A_107] : memref<200x128xi32, #tpu.memory_space<vmem>> -> memref<1x128xi32, #tpu.memory_space<vmem>>
    %dma_wait3A_109 = tpu.memref_squeeze %dma_wait3A_108 : memref<1x128xi32, #tpu.memory_space<vmem>> -> memref<128xi32, #tpu.memory_space<vmem>>
    %dma_wait3A_110 = arith.constant 0 : i32
    %dma_wait3A_111 = arith.constant 0 : i32
    %dma_wait3A_112 = tpu.memref_slice %arg3[%dma_wait3A_110, %dma_wait3A_111] : memref<1015808x64xf32, #tpu.memory_space<hbm>> -> memref<1015808x64xf32, #tpu.memory_space<hbm>>
    tpu.wait_indirect_dma semaphore(%arg14 : memref<!tpu.dma_semaphore, #tpu.memory_space<semaphore_mem>>) src(%dma_wait3A_112 : memref<1015808x64xf32, #tpu.memory_space<hbm>>) dst(%arg13 : memref<128x64xf32, #tpu.memory_space<vmem>>)
    %scan3A = arith.constant 0 : i32
    %scan3A_113 = arith.constant 1 : i32
    %scan3A_114 = arith.constant 24 : i32
    %scan3A_115 = arith.addi %scan3A_113, %scan3A_114 : i32
    %scan3A_116 = arith.constant 1 : i32
    scf.for %scan3A_124 = %scan3A_113 to %scan3A_115 step %scan3A_116  : i32 {
      %mul3A_125 = arith.constant 8 : i32
      %mul3A_126 = arith.muli %scan3A_124, %mul3A_125 : i32
      %add3A_127 = arith.constant 0 : i32
      %add3A_128 = arith.addi %mul3A_126, %add3A_127 : i32
      %dma_start3A_129 = arith.constant 0 : i32
      %dma_start3A_130 = tpu.memref_slice %arg5[%add3A_128, %dma_start3A_129] : memref<200x128xi32, #tpu.memory_space<vmem>> -> memref<1x128xi32, #tpu.memory_space<vmem>>
      %dma_start3A_131 = tpu.memref_squeeze %dma_start3A_130 : memref<1x128xi32, #tpu.memory_space<vmem>> -> memref<128xi32, #tpu.memory_space<vmem>>
      %dma_start3A_132 = arith.constant 0 : i32
      %dma_start3A_133 = arith.constant 0 : i32
      %dma_start3A_134 = tpu.memref_slice %arg3[%dma_start3A_132, %dma_start3A_133] : memref<1015808x64xf32, #tpu.memory_space<hbm>> -> memref<1015808x64xf32, #tpu.memory_space<hbm>>
      tpu.enqueue_indirect_dma source(%dma_start3A_134 : memref<1015808x64xf32, #tpu.memory_space<hbm>>) target(%arg6 : memref<128x64xf32, #tpu.memory_space<vmem>>) offsets(%dma_start3A_131 : memref<128xi32, #tpu.memory_space<vmem>>) semaphore(%arg14 : memref<!tpu.dma_semaphore, #tpu.memory_space<semaphore_mem>>) {add = true}
      %add3A_135 = arith.constant 1 : i32
      %add3A_136 = arith.addi %mul3A_126, %add3A_135 : i32
      %dma_start3A_137 = arith.constant 0 : i32
      %dma_start3A_138 = tpu.memref_slice %arg5[%add3A_136, %dma_start3A_137] : memref<200x128xi32, #tpu.memory_space<vmem>> -> memref<1x128xi32, #tpu.memory_space<vmem>>
      %dma_start3A_139 = tpu.memref_squeeze %dma_start3A_138 : memref<1x128xi32, #tpu.memory_space<vmem>> -> memref<128xi32, #tpu.memory_space<vmem>>
      %dma_start3A_140 = arith.constant 0 : i32
      %dma_start3A_141 = arith.constant 0 : i32
      %dma_start3A_142 = tpu.memref_slice %arg3[%dma_start3A_140, %dma_start3A_141] : memref<1015808x64xf32, #tpu.memory_space<hbm>> -> memref<1015808x64xf32, #tpu.memory_space<hbm>>
      tpu.enqueue_indirect_dma source(%dma_start3A_142 : memref<1015808x64xf32, #tpu.memory_space<hbm>>) target(%arg7 : memref<128x64xf32, #tpu.memory_space<vmem>>) offsets(%dma_start3A_139 : memref<128xi32, #tpu.memory_space<vmem>>) semaphore(%arg14 : memref<!tpu.dma_semaphore, #tpu.memory_space<semaphore_mem>>) {add = true}
      %add3A_143 = arith.constant 2 : i32
      %add3A_144 = arith.addi %mul3A_126, %add3A_143 : i32
      %dma_start3A_145 = arith.constant 0 : i32
      %dma_start3A_146 = tpu.memref_slice %arg5[%add3A_144, %dma_start3A_145] : memref<200x128xi32, #tpu.memory_space<vmem>> -> memref<1x128xi32, #tpu.memory_space<vmem>>
      %dma_start3A_147 = tpu.memref_squeeze %dma_start3A_146 : memref<1x128xi32, #tpu.memory_space<vmem>> -> memref<128xi32, #tpu.memory_space<vmem>>
      %dma_start3A_148 = arith.constant 0 : i32
      %dma_start3A_149 = arith.constant 0 : i32
      %dma_start3A_150 = tpu.memref_slice %arg3[%dma_start3A_148, %dma_start3A_149] : memref<1015808x64xf32, #tpu.memory_space<hbm>> -> memref<1015808x64xf32, #tpu.memory_space<hbm>>
      tpu.enqueue_indirect_dma source(%dma_start3A_150 : memref<1015808x64xf32, #tpu.memory_space<hbm>>) target(%arg8 : memref<128x64xf32, #tpu.memory_space<vmem>>) offsets(%dma_start3A_147 : memref<128xi32, #tpu.memory_space<vmem>>) semaphore(%arg14 : memref<!tpu.dma_semaphore, #tpu.memory_space<semaphore_mem>>) {add = true}
      %add3A_151 = arith.constant 3 : i32
      %add3A_152 = arith.addi %mul3A_126, %add3A_151 : i32
      %dma_start3A_153 = arith.constant 0 : i32
      %dma_start3A_154 = tpu.memref_slice %arg5[%add3A_152, %dma_start3A_153] : memref<200x128xi32, #tpu.memory_space<vmem>> -> memref<1x128xi32, #tpu.memory_space<vmem>>
      %dma_start3A_155 = tpu.memref_squeeze %dma_start3A_154 : memref<1x128xi32, #tpu.memory_space<vmem>> -> memref<128xi32, #tpu.memory_space<vmem>>
      %dma_start3A_156 = arith.constant 0 : i32
      %dma_start3A_157 = arith.constant 0 : i32
      %dma_start3A_158 = tpu.memref_slice %arg3[%dma_start3A_156, %dma_start3A_157] : memref<1015808x64xf32, #tpu.memory_space<hbm>> -> memref<1015808x64xf32, #tpu.memory_space<hbm>>
      tpu.enqueue_indirect_dma source(%dma_start3A_158 : memref<1015808x64xf32, #tpu.memory_space<hbm>>) target(%arg9 : memref<128x64xf32, #tpu.memory_space<vmem>>) offsets(%dma_start3A_155 : memref<128xi32, #tpu.memory_space<vmem>>) semaphore(%arg14 : memref<!tpu.dma_semaphore, #tpu.memory_space<semaphore_mem>>) {add = true}
      %add3A_159 = arith.constant 4 : i32
      %add3A_160 = arith.addi %mul3A_126, %add3A_159 : i32
      %dma_start3A_161 = arith.constant 0 : i32
      %dma_start3A_162 = tpu.memref_slice %arg5[%add3A_160, %dma_start3A_161] : memref<200x128xi32, #tpu.memory_space<vmem>> -> memref<1x128xi32, #tpu.memory_space<vmem>>
      %dma_start3A_163 = tpu.memref_squeeze %dma_start3A_162 : memref<1x128xi32, #tpu.memory_space<vmem>> -> memref<128xi32, #tpu.memory_space<vmem>>
      %dma_start3A_164 = arith.constant 0 : i32
      %dma_start3A_165 = arith.constant 0 : i32
      %dma_start3A_166 = tpu.memref_slice %arg3[%dma_start3A_164, %dma_start3A_165] : memref<1015808x64xf32, #tpu.memory_space<hbm>> -> memref<1015808x64xf32, #tpu.memory_space<hbm>>
      tpu.enqueue_indirect_dma source(%dma_start3A_166 : memref<1015808x64xf32, #tpu.memory_space<hbm>>) target(%arg10 : memref<128x64xf32, #tpu.memory_space<vmem>>) offsets(%dma_start3A_163 : memref<128xi32, #tpu.memory_space<vmem>>) semaphore(%arg14 : memref<!tpu.dma_semaphore, #tpu.memory_space<semaphore_mem>>) {add = true}
      %add3A_167 = arith.constant 5 : i32
      %add3A_168 = arith.addi %mul3A_126, %add3A_167 : i32
      %dma_start3A_169 = arith.constant 0 : i32
      %dma_start3A_170 = tpu.memref_slice %arg5[%add3A_168, %dma_start3A_169] : memref<200x128xi32, #tpu.memory_space<vmem>> -> memref<1x128xi32, #tpu.memory_space<vmem>>
      %dma_start3A_171 = tpu.memref_squeeze %dma_start3A_170 : memref<1x128xi32, #tpu.memory_space<vmem>> -> memref<128xi32, #tpu.memory_space<vmem>>
      %dma_start3A_172 = arith.constant 0 : i32
      %dma_start3A_173 = arith.constant 0 : i32
      %dma_start3A_174 = tpu.memref_slice %arg3[%dma_start3A_172, %dma_start3A_173] : memref<1015808x64xf32, #tpu.memory_space<hbm>> -> memref<1015808x64xf32, #tpu.memory_space<hbm>>
      tpu.enqueue_indirect_dma source(%dma_start3A_174 : memref<1015808x64xf32, #tpu.memory_space<hbm>>) target(%arg11 : memref<128x64xf32, #tpu.memory_space<vmem>>) offsets(%dma_start3A_171 : memref<128xi32, #tpu.memory_space<vmem>>) semaphore(%arg14 : memref<!tpu.dma_semaphore, #tpu.memory_space<semaphore_mem>>) {add = true}
      %add3A_175 = arith.constant 6 : i32
      %add3A_176 = arith.addi %mul3A_126, %add3A_175 : i32
      %dma_start3A_177 = arith.constant 0 : i32
      %dma_start3A_178 = tpu.memref_slice %arg5[%add3A_176, %dma_start3A_177] : memref<200x128xi32, #tpu.memory_space<vmem>> -> memref<1x128xi32, #tpu.memory_space<vmem>>
      %dma_start3A_179 = tpu.memref_squeeze %dma_start3A_178 : memref<1x128xi32, #tpu.memory_space<vmem>> -> memref<128xi32, #tpu.memory_space<vmem>>
      %dma_start3A_180 = arith.constant 0 : i32
      %dma_start3A_181 = arith.constant 0 : i32
      %dma_start3A_182 = tpu.memref_slice %arg3[%dma_start3A_180, %dma_start3A_181] : memref<1015808x64xf32, #tpu.memory_space<hbm>> -> memref<1015808x64xf32, #tpu.memory_space<hbm>>
      tpu.enqueue_indirect_dma source(%dma_start3A_182 : memref<1015808x64xf32, #tpu.memory_space<hbm>>) target(%arg12 : memref<128x64xf32, #tpu.memory_space<vmem>>) offsets(%dma_start3A_179 : memref<128xi32, #tpu.memory_space<vmem>>) semaphore(%arg14 : memref<!tpu.dma_semaphore, #tpu.memory_space<semaphore_mem>>) {add = true}
      %add3A_183 = arith.constant 7 : i32
      %add3A_184 = arith.addi %mul3A_126, %add3A_183 : i32
      %dma_start3A_185 = arith.constant 0 : i32
      %dma_start3A_186 = tpu.memref_slice %arg5[%add3A_184, %dma_start3A_185] : memref<200x128xi32, #tpu.memory_space<vmem>> -> memref<1x128xi32, #tpu.memory_space<vmem>>
      %dma_start3A_187 = tpu.memref_squeeze %dma_start3A_186 : memref<1x128xi32, #tpu.memory_space<vmem>> -> memref<128xi32, #tpu.memory_space<vmem>>
      %dma_start3A_188 = arith.constant 0 : i32
      %dma_start3A_189 = arith.constant 0 : i32
      %dma_start3A_190 = tpu.memref_slice %arg3[%dma_start3A_188, %dma_start3A_189] : memref<1015808x64xf32, #tpu.memory_space<hbm>> -> memref<1015808x64xf32, #tpu.memory_space<hbm>>
      tpu.enqueue_indirect_dma source(%dma_start3A_190 : memref<1015808x64xf32, #tpu.memory_space<hbm>>) target(%arg13 : memref<128x64xf32, #tpu.memory_space<vmem>>) offsets(%dma_start3A_187 : memref<128xi32, #tpu.memory_space<vmem>>) semaphore(%arg14 : memref<!tpu.dma_semaphore, #tpu.memory_space<semaphore_mem>>) {add = true}
      %dma_wait3A_191 = arith.constant 0 : i32
      %dma_wait3A_192 = tpu.memref_slice %arg5[%add3A_128, %dma_wait3A_191] : memref<200x128xi32, #tpu.memory_space<vmem>> -> memref<1x128xi32, #tpu.memory_space<vmem>>
      %dma_wait3A_193 = tpu.memref_squeeze %dma_wait3A_192 : memref<1x128xi32, #tpu.memory_space<vmem>> -> memref<128xi32, #tpu.memory_space<vmem>>
      %dma_wait3A_194 = arith.constant 0 : i32
      %dma_wait3A_195 = arith.constant 0 : i32
      %dma_wait3A_196 = tpu.memref_slice %arg3[%dma_wait3A_194, %dma_wait3A_195] : memref<1015808x64xf32, #tpu.memory_space<hbm>> -> memref<1015808x64xf32, #tpu.memory_space<hbm>>
      tpu.wait_indirect_dma semaphore(%arg14 : memref<!tpu.dma_semaphore, #tpu.memory_space<semaphore_mem>>) src(%dma_wait3A_196 : memref<1015808x64xf32, #tpu.memory_space<hbm>>) dst(%arg6 : memref<128x64xf32, #tpu.memory_space<vmem>>)
      %dma_wait3A_197 = arith.constant 0 : i32
      %dma_wait3A_198 = tpu.memref_slice %arg5[%add3A_136, %dma_wait3A_197] : memref<200x128xi32, #tpu.memory_space<vmem>> -> memref<1x128xi32, #tpu.memory_space<vmem>>
      %dma_wait3A_199 = tpu.memref_squeeze %dma_wait3A_198 : memref<1x128xi32, #tpu.memory_space<vmem>> -> memref<128xi32, #tpu.memory_space<vmem>>
      %dma_wait3A_200 = arith.constant 0 : i32
      %dma_wait3A_201 = arith.constant 0 : i32
      %dma_wait3A_202 = tpu.memref_slice %arg3[%dma_wait3A_200, %dma_wait3A_201] : memref<1015808x64xf32, #tpu.memory_space<hbm>> -> memref<1015808x64xf32, #tpu.memory_space<hbm>>
      tpu.wait_indirect_dma semaphore(%arg14 : memref<!tpu.dma_semaphore, #tpu.memory_space<semaphore_mem>>) src(%dma_wait3A_202 : memref<1015808x64xf32, #tpu.memory_space<hbm>>) dst(%arg7 : memref<128x64xf32, #tpu.memory_space<vmem>>)
      %dma_wait3A_203 = arith.constant 0 : i32
      %dma_wait3A_204 = tpu.memref_slice %arg5[%add3A_144, %dma_wait3A_203] : memref<200x128xi32, #tpu.memory_space<vmem>> -> memref<1x128xi32, #tpu.memory_space<vmem>>
      %dma_wait3A_205 = tpu.memref_squeeze %dma_wait3A_204 : memref<1x128xi32, #tpu.memory_space<vmem>> -> memref<128xi32, #tpu.memory_space<vmem>>
      %dma_wait3A_206 = arith.constant 0 : i32
      %dma_wait3A_207 = arith.constant 0 : i32
      %dma_wait3A_208 = tpu.memref_slice %arg3[%dma_wait3A_206, %dma_wait3A_207] : memref<1015808x64xf32, #tpu.memory_space<hbm>> -> memref<1015808x64xf32, #tpu.memory_space<hbm>>
      tpu.wait_indirect_dma semaphore(%arg14 : memref<!tpu.dma_semaphore, #tpu.memory_space<semaphore_mem>>) src(%dma_wait3A_208 : memref<1015808x64xf32, #tpu.memory_space<hbm>>) dst(%arg8 : memref<128x64xf32, #tpu.memory_space<vmem>>)
      %dma_wait3A_209 = arith.constant 0 : i32
      %dma_wait3A_210 = tpu.memref_slice %arg5[%add3A_152, %dma_wait3A_209] : memref<200x128xi32, #tpu.memory_space<vmem>> -> memref<1x128xi32, #tpu.memory_space<vmem>>
      %dma_wait3A_211 = tpu.memref_squeeze %dma_wait3A_210 : memref<1x128xi32, #tpu.memory_space<vmem>> -> memref<128xi32, #tpu.memory_space<vmem>>
      %dma_wait3A_212 = arith.constant 0 : i32
      %dma_wait3A_213 = arith.constant 0 : i32
      %dma_wait3A_214 = tpu.memref_slice %arg3[%dma_wait3A_212, %dma_wait3A_213] : memref<1015808x64xf32, #tpu.memory_space<hbm>> -> memref<1015808x64xf32, #tpu.memory_space<hbm>>
      tpu.wait_indirect_dma semaphore(%arg14 : memref<!tpu.dma_semaphore, #tpu.memory_space<semaphore_mem>>) src(%dma_wait3A_214 : memref<1015808x64xf32, #tpu.memory_space<hbm>>) dst(%arg9 : memref<128x64xf32, #tpu.memory_space<vmem>>)
      %dma_wait3A_215 = arith.constant 0 : i32
      %dma_wait3A_216 = tpu.memref_slice %arg5[%add3A_160, %dma_wait3A_215] : memref<200x128xi32, #tpu.memory_space<vmem>> -> memref<1x128xi32, #tpu.memory_space<vmem>>
      %dma_wait3A_217 = tpu.memref_squeeze %dma_wait3A_216 : memref<1x128xi32, #tpu.memory_space<vmem>> -> memref<128xi32, #tpu.memory_space<vmem>>
      %dma_wait3A_218 = arith.constant 0 : i32
      %dma_wait3A_219 = arith.constant 0 : i32
      %dma_wait3A_220 = tpu.memref_slice %arg3[%dma_wait3A_218, %dma_wait3A_219] : memref<1015808x64xf32, #tpu.memory_space<hbm>> -> memref<1015808x64xf32, #tpu.memory_space<hbm>>
      tpu.wait_indirect_dma semaphore(%arg14 : memref<!tpu.dma_semaphore, #tpu.memory_space<semaphore_mem>>) src(%dma_wait3A_220 : memref<1015808x64xf32, #tpu.memory_space<hbm>>) dst(%arg10 : memref<128x64xf32, #tpu.memory_space<vmem>>)
      %dma_wait3A_221 = arith.constant 0 : i32
      %dma_wait3A_222 = tpu.memref_slice %arg5[%add3A_168, %dma_wait3A_221] : memref<200x128xi32, #tpu.memory_space<vmem>> -> memref<1x128xi32, #tpu.memory_space<vmem>>
      %dma_wait3A_223 = tpu.memref_squeeze %dma_wait3A_222 : memref<1x128xi32, #tpu.memory_space<vmem>> -> memref<128xi32, #tpu.memory_space<vmem>>
      %dma_wait3A_224 = arith.constant 0 : i32
      %dma_wait3A_225 = arith.constant 0 : i32
      %dma_wait3A_226 = tpu.memref_slice %arg3[%dma_wait3A_224, %dma_wait3A_225] : memref<1015808x64xf32, #tpu.memory_space<hbm>> -> memref<1015808x64xf32, #tpu.memory_space<hbm>>
      tpu.wait_indirect_dma semaphore(%arg14 : memref<!tpu.dma_semaphore, #tpu.memory_space<semaphore_mem>>) src(%dma_wait3A_226 : memref<1015808x64xf32, #tpu.memory_space<hbm>>) dst(%arg11 : memref<128x64xf32, #tpu.memory_space<vmem>>)
      %dma_wait3A_227 = arith.constant 0 : i32
      %dma_wait3A_228 = tpu.memref_slice %arg5[%add3A_176, %dma_wait3A_227] : memref<200x128xi32, #tpu.memory_space<vmem>> -> memref<1x128xi32, #tpu.memory_space<vmem>>
      %dma_wait3A_229 = tpu.memref_squeeze %dma_wait3A_228 : memref<1x128xi32, #tpu.memory_space<vmem>> -> memref<128xi32, #tpu.memory_space<vmem>>
      %dma_wait3A_230 = arith.constant 0 : i32
      %dma_wait3A_231 = arith.constant 0 : i32
      %dma_wait3A_232 = tpu.memref_slice %arg3[%dma_wait3A_230, %dma_wait3A_231] : memref<1015808x64xf32, #tpu.memory_space<hbm>> -> memref<1015808x64xf32, #tpu.memory_space<hbm>>
      tpu.wait_indirect_dma semaphore(%arg14 : memref<!tpu.dma_semaphore, #tpu.memory_space<semaphore_mem>>) src(%dma_wait3A_232 : memref<1015808x64xf32, #tpu.memory_space<hbm>>) dst(%arg12 : memref<128x64xf32, #tpu.memory_space<vmem>>)
      %dma_wait3A_233 = arith.constant 0 : i32
      %dma_wait3A_234 = tpu.memref_slice %arg5[%add3A_184, %dma_wait3A_233] : memref<200x128xi32, #tpu.memory_space<vmem>> -> memref<1x128xi32, #tpu.memory_space<vmem>>
      %dma_wait3A_235 = tpu.memref_squeeze %dma_wait3A_234 : memref<1x128xi32, #tpu.memory_space<vmem>> -> memref<128xi32, #tpu.memory_space<vmem>>
      %dma_wait3A_236 = arith.constant 0 : i32
      %dma_wait3A_237 = arith.constant 0 : i32
      %dma_wait3A_238 = tpu.memref_slice %arg3[%dma_wait3A_236, %dma_wait3A_237] : memref<1015808x64xf32, #tpu.memory_space<hbm>> -> memref<1015808x64xf32, #tpu.memory_space<hbm>>
      tpu.wait_indirect_dma semaphore(%arg14 : memref<!tpu.dma_semaphore, #tpu.memory_space<semaphore_mem>>) src(%dma_wait3A_238 : memref<1015808x64xf32, #tpu.memory_space<hbm>>) dst(%arg13 : memref<128x64xf32, #tpu.memory_space<vmem>>)
    }
    %scan3A_117 = arith.constant 24 : i32
    %scan3A_118 = arith.constant 0 : i32
    %scan3A_119 = arith.constant 0 : i32
    %scan3A_120 = arith.constant 128 : i32
    %scan3A_121 = arith.addi %scan3A_119, %scan3A_120 : i32
    %scan3A_122 = arith.constant 1 : i32
    scf.for %scan3A_124 = %scan3A_119 to %scan3A_121 step %scan3A_122  : i32 {
      %get3A = arith.index_cast %scan3A_124 : i32 to index
      %get3A_125 = arith.constant 0 : index
      %get3A_126 = tpu.vector_load %arg6[%get3A, %get3A_125] {strides = array<i32>} : memref<128x64xf32, #tpu.memory_space<vmem>>, vector<1x16xf32>,
      %get3A_127 = vector.shape_cast %get3A_126 : vector<1x16xf32> to vector<16xf32>
      %get3A_128 = arith.index_cast %scan3A_124 : i32 to index
      %get3A_129 = arith.constant 0 : index
      %get3A_130 = tpu.vector_load %arg7[%get3A_128, %get3A_129] {strides = array<i32>} : memref<128x64xf32, #tpu.memory_space<vmem>>, vector<1x16xf32>,
      %get3A_131 = vector.shape_cast %get3A_130 : vector<1x16xf32> to vector<16xf32>
      %add3A_132 = arith.addf %get3A_127, %get3A_131 : vector<16xf32>
      %get3A_133 = arith.index_cast %scan3A_124 : i32 to index
      %get3A_134 = arith.constant 0 : index
      %get3A_135 = tpu.vector_load %arg8[%get3A_133, %get3A_134] {strides = array<i32>} : memref<128x64xf32, #tpu.memory_space<vmem>>, vector<1x16xf32>,
      %get3A_136 = vector.shape_cast %get3A_135 : vector<1x16xf32> to vector<16xf32>
      %add3A_137 = arith.addf %add3A_132, %get3A_136 : vector<16xf32>
      %get3A_138 = arith.index_cast %scan3A_124 : i32 to index
      %get3A_139 = arith.constant 0 : index
      %get3A_140 = tpu.vector_load %arg9[%get3A_138, %get3A_139] {strides = array<i32>} : memref<128x64xf32, #tpu.memory_space<vmem>>, vector<1x16xf32>,
      %get3A_141 = vector.shape_cast %get3A_140 : vector<1x16xf32> to vector<16xf32>
      %add3A_142 = arith.addf %add3A_137, %get3A_141 : vector<16xf32>
      %get3A_143 = arith.index_cast %scan3A_124 : i32 to index
      %get3A_144 = arith.constant 0 : index
      %get3A_145 = tpu.vector_load %arg10[%get3A_143, %get3A_144] {strides = array<i32>} : memref<128x64xf32, #tpu.memory_space<vmem>>, vector<1x16xf32>,
      %get3A_146 = vector.shape_cast %get3A_145 : vector<1x16xf32> to vector<16xf32>
      %add3A_147 = arith.addf %add3A_142, %get3A_146 : vector<16xf32>
      %get3A_148 = arith.index_cast %scan3A_124 : i32 to index
      %get3A_149 = arith.constant 0 : index
      %get3A_150 = tpu.vector_load %arg11[%get3A_148, %get3A_149] {strides = array<i32>} : memref<128x64xf32, #tpu.memory_space<vmem>>, vector<1x16xf32>,
      %get3A_151 = vector.shape_cast %get3A_150 : vector<1x16xf32> to vector<16xf32>
      %add3A_152 = arith.addf %add3A_147, %get3A_151 : vector<16xf32>
      %get3A_153 = arith.index_cast %scan3A_124 : i32 to index
      %get3A_154 = arith.constant 0 : index
      %get3A_155 = tpu.vector_load %arg12[%get3A_153, %get3A_154] {strides = array<i32>} : memref<128x64xf32, #tpu.memory_space<vmem>>, vector<1x16xf32>,
      %get3A_156 = vector.shape_cast %get3A_155 : vector<1x16xf32> to vector<16xf32>
      %add3A_157 = arith.addf %add3A_152, %get3A_156 : vector<16xf32>
      %get3A_158 = arith.index_cast %scan3A_124 : i32 to index
      %get3A_159 = arith.constant 0 : index
      %get3A_160 = tpu.vector_load %arg13[%get3A_158, %get3A_159] {strides = array<i32>} : memref<128x64xf32, #tpu.memory_space<vmem>>, vector<1x16xf32>,
      %get3A_161 = vector.shape_cast %get3A_160 : vector<1x16xf32> to vector<16xf32>
      %add3A_162 = arith.addf %add3A_157, %get3A_161 : vector<16xf32>
      %swap3A = arith.index_cast %scan3A_124 : i32 to index
      %swap3A_163 = arith.constant 0 : index
      %swap3A_164 = tpu.vector_load %arg6[%swap3A, %swap3A_163] {strides = array<i32>} : memref<128x64xf32, #tpu.memory_space<vmem>>, vector<1x16xf32>,
      %swap3A_165 = vector.shape_cast %swap3A_164 : vector<1x16xf32> to vector<16xf32>
      %swap3A_166 = vector.shape_cast %add3A_162 : vector<16xf32> to vector<1x16xf32>
      tpu.vector_store %arg6[%swap3A, %swap3A_163], %swap3A_166 {strides = array<i32>} : memref<128x64xf32, #tpu.memory_space<vmem>>, vector<1x16xf32>,
      %get3A_167 = arith.index_cast %scan3A_124 : i32 to index
      %get3A_168 = arith.constant 16 : index
      %get3A_169 = tpu.vector_load %arg6[%get3A_167, %get3A_168] {strides = array<i32>} : memref<128x64xf32, #tpu.memory_space<vmem>>, vector<1x16xf32>,
      %get3A_170 = vector.shape_cast %get3A_169 : vector<1x16xf32> to vector<16xf32>
      %get3A_171 = arith.index_cast %scan3A_124 : i32 to index
      %get3A_172 = arith.constant 16 : index
      %get3A_173 = tpu.vector_load %arg7[%get3A_171, %get3A_172] {strides = array<i32>} : memref<128x64xf32, #tpu.memory_space<vmem>>, vector<1x16xf32>,
      %get3A_174 = vector.shape_cast %get3A_173 : vector<1x16xf32> to vector<16xf32>
      %add3A_175 = arith.addf %get3A_170, %get3A_174 : vector<16xf32>
      %get3A_176 = arith.index_cast %scan3A_124 : i32 to index
      %get3A_177 = arith.constant 16 : index
      %get3A_178 = tpu.vector_load %arg8[%get3A_176, %get3A_177] {strides = array<i32>} : memref<128x64xf32, #tpu.memory_space<vmem>>, vector<1x16xf32>,
      %get3A_179 = vector.shape_cast %get3A_178 : vector<1x16xf32> to vector<16xf32>
      %add3A_180 = arith.addf %add3A_175, %get3A_179 : vector<16xf32>
      %get3A_181 = arith.index_cast %scan3A_124 : i32 to index
      %get3A_182 = arith.constant 16 : index
      %get3A_183 = tpu.vector_load %arg9[%get3A_181, %get3A_182] {strides = array<i32>} : memref<128x64xf32, #tpu.memory_space<vmem>>, vector<1x16xf32>,
      %get3A_184 = vector.shape_cast %get3A_183 : vector<1x16xf32> to vector<16xf32>
      %add3A_185 = arith.addf %add3A_180, %get3A_184 : vector<16xf32>
      %get3A_186 = arith.index_cast %scan3A_124 : i32 to index
      %get3A_187 = arith.constant 16 : index
      %get3A_188 = tpu.vector_load %arg10[%get3A_186, %get3A_187] {strides = array<i32>} : memref<128x64xf32, #tpu.memory_space<vmem>>, vector<1x16xf32>,
      %get3A_189 = vector.shape_cast %get3A_188 : vector<1x16xf32> to vector<16xf32>
      %add3A_190 = arith.addf %add3A_185, %get3A_189 : vector<16xf32>
      %get3A_191 = arith.index_cast %scan3A_124 : i32 to index
      %get3A_192 = arith.constant 16 : index
      %get3A_193 = tpu.vector_load %arg11[%get3A_191, %get3A_192] {strides = array<i32>} : memref<128x64xf32, #tpu.memory_space<vmem>>, vector<1x16xf32>,
      %get3A_194 = vector.shape_cast %get3A_193 : vector<1x16xf32> to vector<16xf32>
      %add3A_195 = arith.addf %add3A_190, %get3A_194 : vector<16xf32>
      %get3A_196 = arith.index_cast %scan3A_124 : i32 to index
      %get3A_197 = arith.constant 16 : index
      %get3A_198 = tpu.vector_load %arg12[%get3A_196, %get3A_197] {strides = array<i32>} : memref<128x64xf32, #tpu.memory_space<vmem>>, vector<1x16xf32>,
      %get3A_199 = vector.shape_cast %get3A_198 : vector<1x16xf32> to vector<16xf32>
      %add3A_200 = arith.addf %add3A_195, %get3A_199 : vector<16xf32>
      %get3A_201 = arith.index_cast %scan3A_124 : i32 to index
      %get3A_202 = arith.constant 16 : index
      %get3A_203 = tpu.vector_load %arg13[%get3A_201, %get3A_202] {strides = array<i32>} : memref<128x64xf32, #tpu.memory_space<vmem>>, vector<1x16xf32>,
      %get3A_204 = vector.shape_cast %get3A_203 : vector<1x16xf32> to vector<16xf32>
      %add3A_205 = arith.addf %add3A_200, %get3A_204 : vector<16xf32>
      %swap3A_206 = arith.index_cast %scan3A_124 : i32 to index
      %swap3A_207 = arith.constant 16 : index
      %swap3A_208 = tpu.vector_load %arg6[%swap3A_206, %swap3A_207] {strides = array<i32>} : memref<128x64xf32, #tpu.memory_space<vmem>>, vector<1x16xf32>,
      %swap3A_209 = vector.shape_cast %swap3A_208 : vector<1x16xf32> to vector<16xf32>
      %swap3A_210 = vector.shape_cast %add3A_205 : vector<16xf32> to vector<1x16xf32>
      tpu.vector_store %arg6[%swap3A_206, %swap3A_207], %swap3A_210 {strides = array<i32>} : memref<128x64xf32, #tpu.memory_space<vmem>>, vector<1x16xf32>,
      %get3A_211 = arith.index_cast %scan3A_124 : i32 to index
      %get3A_212 = arith.constant 32 : index
      %get3A_213 = tpu.vector_load %arg6[%get3A_211, %get3A_212] {strides = array<i32>} : memref<128x64xf32, #tpu.memory_space<vmem>>, vector<1x16xf32>,
      %get3A_214 = vector.shape_cast %get3A_213 : vector<1x16xf32> to vector<16xf32>
      %get3A_215 = arith.index_cast %scan3A_124 : i32 to index
      %get3A_216 = arith.constant 32 : index
      %get3A_217 = tpu.vector_load %arg7[%get3A_215, %get3A_216] {strides = array<i32>} : memref<128x64xf32, #tpu.memory_space<vmem>>, vector<1x16xf32>,
      %get3A_218 = vector.shape_cast %get3A_217 : vector<1x16xf32> to vector<16xf32>
      %add3A_219 = arith.addf %get3A_214, %get3A_218 : vector<16xf32>
      %get3A_220 = arith.index_cast %scan3A_124 : i32 to index
      %get3A_221 = arith.constant 32 : index
      %get3A_222 = tpu.vector_load %arg8[%get3A_220, %get3A_221] {strides = array<i32>} : memref<128x64xf32, #tpu.memory_space<vmem>>, vector<1x16xf32>,
      %get3A_223 = vector.shape_cast %get3A_222 : vector<1x16xf32> to vector<16xf32>
      %add3A_224 = arith.addf %add3A_219, %get3A_223 : vector<16xf32>
      %get3A_225 = arith.index_cast %scan3A_124 : i32 to index
      %get3A_226 = arith.constant 32 : index
      %get3A_227 = tpu.vector_load %arg9[%get3A_225, %get3A_226] {strides = array<i32>} : memref<128x64xf32, #tpu.memory_space<vmem>>, vector<1x16xf32>,
      %get3A_228 = vector.shape_cast %get3A_227 : vector<1x16xf32> to vector<16xf32>
      %add3A_229 = arith.addf %add3A_224, %get3A_228 : vector<16xf32>
      %get3A_230 = arith.index_cast %scan3A_124 : i32 to index
      %get3A_231 = arith.constant 32 : index
      %get3A_232 = tpu.vector_load %arg10[%get3A_230, %get3A_231] {strides = array<i32>} : memref<128x64xf32, #tpu.memory_space<vmem>>, vector<1x16xf32>,
      %get3A_233 = vector.shape_cast %get3A_232 : vector<1x16xf32> to vector<16xf32>
      %add3A_234 = arith.addf %add3A_229, %get3A_233 : vector<16xf32>
      %get3A_235 = arith.index_cast %scan3A_124 : i32 to index
      %get3A_236 = arith.constant 32 : index
      %get3A_237 = tpu.vector_load %arg11[%get3A_235, %get3A_236] {strides = array<i32>} : memref<128x64xf32, #tpu.memory_space<vmem>>, vector<1x16xf32>,
      %get3A_238 = vector.shape_cast %get3A_237 : vector<1x16xf32> to vector<16xf32>
      %add3A_239 = arith.addf %add3A_234, %get3A_238 : vector<16xf32>
      %get3A_240 = arith.index_cast %scan3A_124 : i32 to index
      %get3A_241 = arith.constant 32 : index
      %get3A_242 = tpu.vector_load %arg12[%get3A_240, %get3A_241] {strides = array<i32>} : memref<128x64xf32, #tpu.memory_space<vmem>>, vector<1x16xf32>,
      %get3A_243 = vector.shape_cast %get3A_242 : vector<1x16xf32> to vector<16xf32>
      %add3A_244 = arith.addf %add3A_239, %get3A_243 : vector<16xf32>
      %get3A_245 = arith.index_cast %scan3A_124 : i32 to index
      %get3A_246 = arith.constant 32 : index
      %get3A_247 = tpu.vector_load %arg13[%get3A_245, %get3A_246] {strides = array<i32>} : memref<128x64xf32, #tpu.memory_space<vmem>>, vector<1x16xf32>,
      %get3A_248 = vector.shape_cast %get3A_247 : vector<1x16xf32> to vector<16xf32>
      %add3A_249 = arith.addf %add3A_244, %get3A_248 : vector<16xf32>
      %swap3A_250 = arith.index_cast %scan3A_124 : i32 to index
      %swap3A_251 = arith.constant 32 : index
      %swap3A_252 = tpu.vector_load %arg6[%swap3A_250, %swap3A_251] {strides = array<i32>} : memref<128x64xf32, #tpu.memory_space<vmem>>, vector<1x16xf32>,
      %swap3A_253 = vector.shape_cast %swap3A_252 : vector<1x16xf32> to vector<16xf32>
      %swap3A_254 = vector.shape_cast %add3A_249 : vector<16xf32> to vector<1x16xf32>
      tpu.vector_store %arg6[%swap3A_250, %swap3A_251], %swap3A_254 {strides = array<i32>} : memref<128x64xf32, #tpu.memory_space<vmem>>, vector<1x16xf32>,
      %get3A_255 = arith.index_cast %scan3A_124 : i32 to index
      %get3A_256 = arith.constant 48 : index
      %get3A_257 = tpu.vector_load %arg6[%get3A_255, %get3A_256] {strides = array<i32>} : memref<128x64xf32, #tpu.memory_space<vmem>>, vector<1x16xf32>,
      %get3A_258 = vector.shape_cast %get3A_257 : vector<1x16xf32> to vector<16xf32>
      %get3A_259 = arith.index_cast %scan3A_124 : i32 to index
      %get3A_260 = arith.constant 48 : index
      %get3A_261 = tpu.vector_load %arg7[%get3A_259, %get3A_260] {strides = array<i32>} : memref<128x64xf32, #tpu.memory_space<vmem>>, vector<1x16xf32>,
      %get3A_262 = vector.shape_cast %get3A_261 : vector<1x16xf32> to vector<16xf32>
      %add3A_263 = arith.addf %get3A_258, %get3A_262 : vector<16xf32>
      %get3A_264 = arith.index_cast %scan3A_124 : i32 to index
      %get3A_265 = arith.constant 48 : index
      %get3A_266 = tpu.vector_load %arg8[%get3A_264, %get3A_265] {strides = array<i32>} : memref<128x64xf32, #tpu.memory_space<vmem>>, vector<1x16xf32>,
      %get3A_267 = vector.shape_cast %get3A_266 : vector<1x16xf32> to vector<16xf32>
      %add3A_268 = arith.addf %add3A_263, %get3A_267 : vector<16xf32>
      %get3A_269 = arith.index_cast %scan3A_124 : i32 to index
      %get3A_270 = arith.constant 48 : index
      %get3A_271 = tpu.vector_load %arg9[%get3A_269, %get3A_270] {strides = array<i32>} : memref<128x64xf32, #tpu.memory_space<vmem>>, vector<1x16xf32>,
      %get3A_272 = vector.shape_cast %get3A_271 : vector<1x16xf32> to vector<16xf32>
      %add3A_273 = arith.addf %add3A_268, %get3A_272 : vector<16xf32>
      %get3A_274 = arith.index_cast %scan3A_124 : i32 to index
      %get3A_275 = arith.constant 48 : index
      %get3A_276 = tpu.vector_load %arg10[%get3A_274, %get3A_275] {strides = array<i32>} : memref<128x64xf32, #tpu.memory_space<vmem>>, vector<1x16xf32>,
      %get3A_277 = vector.shape_cast %get3A_276 : vector<1x16xf32> to vector<16xf32>
      %add3A_278 = arith.addf %add3A_273, %get3A_277 : vector<16xf32>
      %get3A_279 = arith.index_cast %scan3A_124 : i32 to index
      %get3A_280 = arith.constant 48 : index
      %get3A_281 = tpu.vector_load %arg11[%get3A_279, %get3A_280] {strides = array<i32>} : memref<128x64xf32, #tpu.memory_space<vmem>>, vector<1x16xf32>,
      %get3A_282 = vector.shape_cast %get3A_281 : vector<1x16xf32> to vector<16xf32>
      %add3A_283 = arith.addf %add3A_278, %get3A_282 : vector<16xf32>
      %get3A_284 = arith.index_cast %scan3A_124 : i32 to index
      %get3A_285 = arith.constant 48 : index
      %get3A_286 = tpu.vector_load %arg12[%get3A_284, %get3A_285] {strides = array<i32>} : memref<128x64xf32, #tpu.memory_space<vmem>>, vector<1x16xf32>,
      %get3A_287 = vector.shape_cast %get3A_286 : vector<1x16xf32> to vector<16xf32>
      %add3A_288 = arith.addf %add3A_283, %get3A_287 : vector<16xf32>
      %get3A_289 = arith.index_cast %scan3A_124 : i32 to index
      %get3A_290 = arith.constant 48 : index
      %get3A_291 = tpu.vector_load %arg13[%get3A_289, %get3A_290] {strides = array<i32>} : memref<128x64xf32, #tpu.memory_space<vmem>>, vector<1x16xf32>,
      %get3A_292 = vector.shape_cast %get3A_291 : vector<1x16xf32> to vector<16xf32>
      %add3A_293 = arith.addf %add3A_288, %get3A_292 : vector<16xf32>
      %swap3A_294 = arith.index_cast %scan3A_124 : i32 to index
      %swap3A_295 = arith.constant 48 : index
      %swap3A_296 = tpu.vector_load %arg6[%swap3A_294, %swap3A_295] {strides = array<i32>} : memref<128x64xf32, #tpu.memory_space<vmem>>, vector<1x16xf32>,
      %swap3A_297 = vector.shape_cast %swap3A_296 : vector<1x16xf32> to vector<16xf32>
      %swap3A_298 = vector.shape_cast %add3A_293 : vector<16xf32> to vector<1x16xf32>
      tpu.vector_store %arg6[%swap3A_294, %swap3A_295], %swap3A_298 {strides = array<i32>} : memref<128x64xf32, #tpu.memory_space<vmem>>, vector<1x16xf32>,
    }
    %scan3A_123 = arith.constant 128 : i32
    "tpu.region"() ({
      %run_scoped3A = tpu.sem_alloc : memref<!tpu.dma_semaphore, #tpu.memory_space<semaphore_mem>>
      %dma_start3A_124 = arith.constant 0 : i32
      %dma_start3A_125 = tpu.memref_slice %arg4[%mul3A_2, %dma_start3A_124] : memref<4096x64xf32, #tpu.memory_space<hbm>> -> memref<128x64xf32, #tpu.memory_space<hbm>>
      %dma_start3A_126 = arith.constant 0 : i32
      %dma_start3A_127 = tpu.memref_slice %arg4[%mul3A_2, %dma_start3A_126] : memref<4096x64xf32, #tpu.memory_space<hbm>> -> memref<128x64xf32, #tpu.memory_space<hbm>>
      tpu.enqueue_dma source(%arg6 : memref<128x64xf32, #tpu.memory_space<vmem>>) target(%dma_start3A_127 : memref<128x64xf32, #tpu.memory_space<hbm>>) target_semaphore(%run_scoped3A : memref<!tpu.dma_semaphore, #tpu.memory_space<semaphore_mem>>)
      %dma_wait3A_128 = arith.constant 0 : i32
      %dma_wait3A_129 = tpu.memref_slice %arg4[%mul3A_2, %dma_wait3A_128] : memref<4096x64xf32, #tpu.memory_space<hbm>> -> memref<128x64xf32, #tpu.memory_space<hbm>>
      %dma_wait3A_130 = arith.constant 0 : i32
      %dma_wait3A_131 = tpu.memref_slice %arg4[%mul3A_2, %dma_wait3A_130] : memref<4096x64xf32, #tpu.memory_space<hbm>> -> memref<128x64xf32, #tpu.memory_space<hbm>>
      tpu.wait_dma2 semaphore(%run_scoped3A : memref<!tpu.dma_semaphore, #tpu.memory_space<semaphore_mem>>) src(%arg6 : memref<128x64xf32, #tpu.memory_space<vmem>>) dst(%dma_wait3A_131 : memref<128x64xf32, #tpu.memory_space<hbm>>)
      tpu.yield
    }) : () -> ()
    return
  }
}

module attributes {stable_mosaic.version = 14 : i64} {
  func.func @body(%arg0: i32, %arg1: memref<64x16384xf32, #tpu.memory_space<vmem>>, %arg2: memref<8192x128xf32, #tpu.memory_space<vmem>>) attributes {dimension_semantics = [#tpu.dimension_semantics<arbitrary>], iteration_bounds = array<i64: 62>, scalar_prefetch = 0 : i64, scratch_operands = 0 : i64, tpu.core_type = #tpu.core_type<tc>, window_params = [{transform_indices = @transform_0, window_bounds = array<i64: 64, 16384>}, {transform_indices = @transform_1, window_bounds = array<i64: 8192, 128>}]} {
    %get3A = arith.constant 0 : index
    %get3A_0 = arith.constant 0 : index
    %get3A_1 = vector.load %arg1[%get3A, %get3A_0] : memref<64x16384xf32, #tpu.memory_space<vmem>>, vector<64x16384xf32>
    %iota3A = tpu.iota {dimensions = array<i32: 0>} : vector<64x64xi32>
    %iota3A_2 = tpu.iota {dimensions = array<i32: 1>} : vector<64x64xi32>
    %add3A = arith.constant 0 : i32
    %add3A_3 = vector.broadcast %add3A : i32 to vector<64x64xi32>
    %add3A_4 = arith.addi %iota3A, %add3A_3 : vector<64x64xi32>
    %eq3A = arith.cmpi eq, %add3A_4, %iota3A_2 : vector<64x64xi32>
    %convert_element_type3A = arith.extui %eq3A : vector<64x64xi1> to vector<64x64xi32>
    %convert_element_type3A_5 = arith.sitofp %convert_element_type3A : vector<64x64xi32> to vector<64x64xf32>
    %slice3A = vector.extract_strided_slice %get3A_1 {offsets = [0, 0], sizes = [64, 2048], strides = [1, 1]} : vector<64x16384xf32> to vector<64x2048xf32>
    %transpose3A = tpu.transpose %slice3A, [1, 0] : vector<64x2048xf32> -> vector<2048x64xf32>
    %slice3A_6 = vector.extract_strided_slice %get3A_1 {offsets = [0, 2048], sizes = [64, 14336], strides = [1, 1]} : vector<64x16384xf32> to vector<64x14336xf32>
    %dot_general3A = arith.constant dense<0.000000e+00> : vector<14336x64xf32>
    %dot_general3A_7 = tpu.matmul %slice3A_6, %convert_element_type3A_5, %dot_general3A {dimension_numbers = #tpu.dot_dimension_numbers<[0], [0], [1], [1], [0, 1, 1, 1], [], []>, transpose_lhs_hint = false} : vector<64x14336xf32>, vector<64x64xf32>, vector<14336x64xf32> -> vector<14336x64xf32>
    %concatenate3A = tpu.concatenate %transpose3A, %dot_general3A_7 in 0 : vector<2048x64xf32>, vector<14336x64xf32> -> vector<16384x64xf32>
    %slice3A_8 = vector.extract_strided_slice %concatenate3A {offsets = [0, 0], sizes = [8192, 64], strides = [1, 1]} : vector<16384x64xf32> to vector<8192x64xf32>
    %slice3A_9 = vector.extract_strided_slice %concatenate3A {offsets = [8192, 0], sizes = [8192, 64], strides = [1, 1]} : vector<16384x64xf32> to vector<8192x64xf32>
    %concatenate3A_10 = tpu.concatenate %slice3A_8, %slice3A_9 in 1 : vector<8192x64xf32>, vector<8192x64xf32> -> vector<8192x128xf32>
    %swap3A = arith.constant 0 : index
    %swap3A_11 = arith.constant 0 : index
    %swap3A_12 = vector.load %arg2[%swap3A, %swap3A_11] : memref<8192x128xf32, #tpu.memory_space<vmem>>, vector<8192x128xf32>
    tpu.vector_store %arg2[%swap3A, %swap3A_11], %concatenate3A_10 {strides = array<i32>} : memref<8192x128xf32, #tpu.memory_space<vmem>>, vector<8192x128xf32>,
    return
  }
  func.func @transform_0(%arg0: i32) -> (i32, i32) {
    %c0_i32 = arith.constant 0 : i32
    %c0_i32_0 = arith.constant 0 : i32
    return %c0_i32, %arg0 : i32, i32
  }
  func.func @transform_1(%arg0: i32) -> (i32, i32) {
    %c0_i32 = arith.constant 0 : i32
    %c0_i32_0 = arith.constant 0 : i32
    return %arg0, %c0_i32 : i32, i32
  }
}

module attributes {stable_mosaic.version = 14 : i64} {
  func.func @body(%arg0: i32, %arg1: memref<1024x64xf32, #tpu.memory_space<vmem>>, %arg2: memref<64x256xf32, #tpu.memory_space<vmem>>, %arg3: memref<1x256xf32, #tpu.memory_space<vmem>>, %arg4: memref<256x128xf32, #tpu.memory_space<vmem>>, %arg5: memref<1x128xf32, #tpu.memory_space<vmem>>, %arg6: memref<1024x128xf32, #tpu.memory_space<vmem>>) attributes {dimension_semantics = [#tpu.dimension_semantics<arbitrary>], iteration_bounds = array<i64: 4>, scalar_prefetch = 0 : i64, scratch_operands = 0 : i64, tpu.core_type = #tpu.core_type<tc>, window_params = [{transform_indices = @transform_0, window_bounds = array<i64: 1024, 64>}, {pipeline_mode = #tpu.pipeline_mode<synchronous>, transform_indices = @transform_1, window_bounds = array<i64: 64, 256>}, {pipeline_mode = #tpu.pipeline_mode<synchronous>, transform_indices = @transform_2, window_bounds = array<i64: 1, 256>}, {pipeline_mode = #tpu.pipeline_mode<synchronous>, transform_indices = @transform_3, window_bounds = array<i64: 256, 128>}, {pipeline_mode = #tpu.pipeline_mode<synchronous>, transform_indices = @transform_4, window_bounds = array<i64: 1, 128>}, {transform_indices = @transform_5, window_bounds = array<i64: 1024, 128>}]} {
    %get3A = arith.constant 0 : index
    %get3A_0 = arith.constant 0 : index
    %get3A_1 = vector.load %arg1[%get3A, %get3A_0] : memref<1024x64xf32, #tpu.memory_space<vmem>>, vector<1024x64xf32>
    %get3A_2 = arith.constant 0 : index
    %get3A_3 = arith.constant 0 : index
    %get3A_4 = vector.load %arg2[%get3A_2, %get3A_3] : memref<64x256xf32, #tpu.memory_space<vmem>>, vector<64x256xf32>
    %dot_general3A = arith.constant dense<0.000000e+00> : vector<1024x256xf32>
    %dot_general3A_5 = tpu.matmul %get3A_1, %get3A_4, %dot_general3A {dimension_numbers = #tpu.dot_dimension_numbers<[1], [0], [0], [1], [0, 0, 1, 1], [], []>, transpose_lhs_hint = false} : vector<1024x64xf32>, vector<64x256xf32>, vector<1024x256xf32> -> vector<1024x256xf32>
    %mul3A = arith.constant 5.000000e-03 : f32
    %mul3A_6 = vector.broadcast %mul3A : f32 to vector<1024x256xf32>
    %mul3A_7 = arith.mulf %dot_general3A_5, %mul3A_6 : vector<1024x256xf32>
    %get3A_8 = arith.constant 0 : index
    %get3A_9 = arith.constant 0 : index
    %get3A_10 = vector.load %arg3[%get3A_8, %get3A_9] : memref<1x256xf32, #tpu.memory_space<vmem>>, vector<1x256xf32>
    %add3A = vector.broadcast %get3A_10 : vector<1x256xf32> to vector<1024x256xf32>
    %add3A_11 = arith.addf %mul3A_7, %add3A : vector<1024x256xf32>
    %get3A_12 = arith.constant 0 : index
    %get3A_13 = arith.constant 0 : index
    %get3A_14 = vector.load %arg4[%get3A_12, %get3A_13] : memref<256x128xf32, #tpu.memory_space<vmem>>, vector<256x128xf32>
    %dot_general3A_15 = arith.constant dense<0.000000e+00> : vector<1024x128xf32>
    %dot_general3A_16 = tpu.matmul %add3A_11, %get3A_14, %dot_general3A_15 {dimension_numbers = #tpu.dot_dimension_numbers<[1], [0], [0], [1], [0, 0, 1, 1], [], []>, transpose_lhs_hint = false} : vector<1024x256xf32>, vector<256x128xf32>, vector<1024x128xf32> -> vector<1024x128xf32>
    %get3A_17 = arith.constant 0 : index
    %get3A_18 = arith.constant 0 : index
    %get3A_19 = vector.load %arg5[%get3A_17, %get3A_18] : memref<1x128xf32, #tpu.memory_space<vmem>>, vector<1x128xf32>
    %add3A_20 = vector.broadcast %get3A_19 : vector<1x128xf32> to vector<1024x128xf32>
    %add3A_21 = arith.addf %dot_general3A_16, %add3A_20 : vector<1024x128xf32>
    %logistic3A = arith.negf %add3A_21 : vector<1024x128xf32>
    %logistic3A_22 = math.exp %logistic3A : vector<1024x128xf32>
    %logistic3A_23 = arith.constant 1.000000e+00 : f32
    %logistic3A_24 = vector.broadcast %logistic3A_23 : f32 to vector<1024x128xf32>
    %logistic3A_25 = arith.addf %logistic3A_24, %logistic3A_22 : vector<1024x128xf32>
    %logistic3A_26 = arith.divf %logistic3A_24, %logistic3A_25 : vector<1024x128xf32>
    %swap3A = arith.constant 0 : index
    %swap3A_27 = arith.constant 0 : index
    %swap3A_28 = vector.load %arg6[%swap3A, %swap3A_27] : memref<1024x128xf32, #tpu.memory_space<vmem>>, vector<1024x128xf32>
    tpu.vector_store %arg6[%swap3A, %swap3A_27], %logistic3A_26 {strides = array<i32>} : memref<1024x128xf32, #tpu.memory_space<vmem>>, vector<1024x128xf32>,
    return
  }
  func.func @transform_0(%arg0: i32) -> (i32, i32) {
    %c0_i32 = arith.constant 0 : i32
    %c0_i32_0 = arith.constant 0 : i32
    return %arg0, %c0_i32 : i32, i32
  }
  func.func @transform_1(%arg0: i32) -> (i32, i32) {
    %c0_i32 = arith.constant 0 : i32
    %c0_i32_0 = arith.constant 0 : i32
    %c0_i32_1 = arith.constant 0 : i32
    return %c0_i32, %c0_i32_0 : i32, i32
  }
  func.func @transform_2(%arg0: i32) -> (i32, i32) {
    %c0_i32 = arith.constant 0 : i32
    %c0_i32_0 = arith.constant 0 : i32
    %c0_i32_1 = arith.constant 0 : i32
    return %c0_i32, %c0_i32_0 : i32, i32
  }
  func.func @transform_3(%arg0: i32) -> (i32, i32) {
    %c0_i32 = arith.constant 0 : i32
    %c0_i32_0 = arith.constant 0 : i32
    %c0_i32_1 = arith.constant 0 : i32
    return %c0_i32, %c0_i32_0 : i32, i32
  }
  func.func @transform_4(%arg0: i32) -> (i32, i32) {
    %c0_i32 = arith.constant 0 : i32
    %c0_i32_0 = arith.constant 0 : i32
    %c0_i32_1 = arith.constant 0 : i32
    return %c0_i32, %c0_i32_0 : i32, i32
  }
  func.func @transform_5(%arg0: i32) -> (i32, i32) {
    %c0_i32 = arith.constant 0 : i32
    %c0_i32_0 = arith.constant 0 : i32
    return %arg0, %c0_i32 : i32, i32
  }
}

</mosaic_0001>

<sc_bundles>
// kernel: kernel.5.cloned.1.call-start
scs
__scs_entry_jumppad:
0x0: {  	(pc) =	sbr.rel $0x88, $3  }
0x1: {  	(tag) =	ssettag $0x0;
	lr =	simm.s32 $0x1  }
0x2: {  	[smem:$0x3F9B] =	sst lr;
	_ =	strace $0xD0000000  }
0x3: {  	_ = 	snop  }
0x4: {  	_ = 	snop  }
0x5: {  	_ = 	snop  }
0x6: {  	_ = 	snop  }
0x7: {  	_ = 	snop  }
__scs_overlays_trampoline_lowered:
0x8: {  	[smem:$0x3FAA] =	sst s0  }
0x9: {  	[smem:$0x3FAB] =	sst s1  }
0xa: {  	[smem:$0x3FAC] =	sst s2  }
0xb: {  	[smem:$0x3FAD] =	sst s3  }
0xc: {  	[smem:$0x3FAE] =	sst s4  }
0xd: {  	[smem:$0x3FAF] =	sst s5  }
0xe: {  	[smem:$0x3FB0] =	sst s6  }
0xf: {  	[smem:$0x3FB1] =	sst s7  }
0x10: {  	[smem:$0x3FB2] =	sst s8  }
0x11: {  	[smem:$0x3FB3] =	sst s9;
	s0 =	simm.s32 @!p0 $0x0  }
0x12: {  	s1 =	sld [smem:$0x3F99];
	s0 =	simm.s32 @p0 $0x1  }
0x13: {  	[smem:$0x3FB4] =	sst s0;
	s0 =	simm.s32 @!p1 $0x0  }
0x14: {  	s2 =	sld [smem:$0x3F98];
	s0 =	simm.s32 @p1 $0x1  }
0x15: {  	[smem:$0x3FB5] =	sst s0;
	s0 =	simm.s32 @!p2 $0x0  }
0x16: {  	s3 =	sld [smem:$0x3FDB];
	s0 =	simm.s32 @p2 $0x1  }
0x17: {  	s4 =	simm.s32 $0x1BF5;
	[smem:$0x3FB7] =	sst s0  }
0x18: {  	s0 =	sld [smem:$0x3F9A];
	_ =	swait.ge [sflag:s4], $0x0  }
0x19: {  	s7 =	sld [smem:$0x3F9B]  }
0x1a: {  	s8 =	sadd.s32 $0xFFFFE003, lr  }
0x1b: {  	s9 =	sadd.s32 $0xFFFFFEF7, lr;
	s5 =	simm.s32 $0xFFFFFFFF;
	p2 =	slt.u32 s8, $0xFFFFF086  }
0x1c: {  	p1 =	slt.u32 s9, $0xF7A;
	s5 =	simm.s32 @!p2 $0x0  }
0x1d: {  	s5 =	simm.s32 @p1 $0x1;
	p0 =	seq.s32 s7, s2  }
0x1e: {  	s7 =	smul.u32 @!p0 $0xF7A, s2;
	p2 =	seq.s32 @!p0 s5, $0x0  }
0x1f: {  	s9 =	smul.u32 $0xF7A, s1;
	s8 =	simm.s32 @!p0 $0x1BF5;
	p2 =	por !p2, p0  }
0x20: {  	[sflag:s8] =	ssyncset.s32 @!p0 $0xFFFFF086;
	s6 =	sadd.s32 @!p0 s3, s7;
	s7 =	simm.s32 @!p0 $0x108  }
0x21: {  	s3 =	sadd.s32 s3, s9;
	s6 =	sadd.s32 @!p0 $0x88, s6;
	s7 =	simm.s32 @p2 $0x1082  }
0x22: {  	[simem:s7], [sflag:s8] =	dma.local @!p0 [hbm:s6], $0xF7A  }
0x23: {  	s9 =	sor.u32 $0xD0000000, s2;
	s6 =	simm.s32 $0x108;
	_ =	swait.ge @!p0 [sflag:s8], $0x0  }
0x24: {  	s3 =	sadd.s32 $0x88, s3;
	s6 =	simm.s32 @!p1 $0x1082;
	[sflag:s4] =	ssyncset.s32 $0xFFFFF086  }
0x25: {  	[simem:s6], [sflag:s4] =	dma.local [hbm:s3], $0xF7A  }
0x26: {  	[smem:$0x3F9B] =	sst s1;
	(tag) =	ssettag s2;
	_ =	strace s9  }
0x27: {  	s1 =	sld [smem:$0x3FAB]  }
0x28: {  	s2 =	sld [smem:$0x3FAC]  }
0x29: {  	s4 =	sld [smem:$0x3FAE]  }
0x2a: {  	p0 =	seq.s32 s5, $0x0;
	s5 =	sld [smem:$0x3FAF]  }
0x2b: {  	s6 =	sld [smem:$0x3FB0]  }
0x2c: {  	s7 =	sld [smem:$0x3FB1]  }
0x2d: {  	s3 =	simm.s32 $0x108;
	s8 =	sld [smem:$0x3FB2]  }
0x2e: {  	s3 =	simm.s32 @!p0 $0x1082;
	s9 =	sld [smem:$0x3FB3]  }
0x2f: {  	lr =	sadd.s32 s0, s3;
	s0 =	sld [smem:$0x3FAA]  }
0x30: {  	s3 =	sld [smem:$0x3FAD]  }
0x31: {  	[smem:$0x3FB6] =	sst s10  }
0x32: {  	s10 =	sld [smem:$0x3FB4];
	_ =	sdelay $0x3  }
0x33: {  	p0 =	seq.s32 s10, $0x1;
	s10 =	sld [smem:$0x3FB6];
	_ =	sdelay $0x3  }
0x34: {  	[smem:$0x3FB6] =	sst s10  }
0x35: {  	s10 =	sld [smem:$0x3FB5];
	_ =	sdelay $0x3  }
0x36: {  	p1 =	seq.s32 s10, $0x1;
	s10 =	sld [smem:$0x3FB6];
	_ =	sdelay $0x3  }
0x37: {  	[smem:$0x3FB6] =	sst s10  }
0x38: {  	s10 =	sld [smem:$0x3FB7]  }
0x39: {  	_ = 	snop;
	(pc) =	sbr.ind lr, $3  }
0x3a: {  	_ = 	snop  }
0x3b: {  	_ = 	snop  }
0x3c: {  	p2 =	seq.s32 s10, $0x1;
	s10 =	sld [smem:$0x3FB6]  }
0x3d: {  	_ =	shalt  }
0x3e: {  	_ =	shalt  }
0x3f: {  	_ =	shalt  }
0x40: {  	_ =	shalt  }
0x41: {  	_ =	shalt  }
0x42: {  	_ =	shalt  }
0x43: {  	_ =	shalt  }
0x44: {  	_ =	shalt  }
0x45: {  	_ =	shalt  }
0x46: {  	_ =	shalt  }
0x47: {  	_ =	shalt  }
0x48: {  	_ =	shalt  }
0x49: {  	_ =	shalt  }
0x4a: {  	_ =	shalt  }
0x4b: {  	_ =	shalt  }
0x4c: {  	_ =	shalt  }
0x4d: {  	_ =	shalt  }
0x4e: {  	_ =	shalt  }
0x4f: {  	_ =	shalt  }
0x50: {  	_ =	shalt  }
0x51: {  	_ =	shalt  }
0x52: {  	_ =	shalt  }
0x53: {  	_ =	shalt  }
0x54: {  	_ =	shalt  }
0x55: {  	_ =	shalt  }
0x56: {  	_ =	shalt  }
0x57: {  	_ =	shalt  }
0x58: {  	_ =	shalt  }
0x59: {  	_ =	shalt  }
0x5a: {  	_ =	shalt  }
0x5b: {  	_ =	shalt  }
0x5c: {  	_ =	shalt  }
0x5d: {  	_ =	shalt  }
0x5e: {  	_ =	shalt  }
0x5f: {  	_ =	shalt  }
0x60: {  	_ =	shalt  }
0x61: {  	_ =	shalt  }
0x62: {  	_ =	shalt  }
0x63: {  	_ =	shalt  }
0x64: {  	_ =	shalt  }
0x65: {  	_ =	shalt  }
0x66: {  	_ =	shalt  }
0x67: {  	_ =	shalt  }
0x68: {  	_ =	shalt  }
0x69: {  	_ =	shalt  }
0x6a: {  	_ =	shalt  }
0x6b: {  	_ =	shalt  }
0x6c: {  	_ =	shalt  }
0x6d: {  	_ =	shalt  }
0x6e: {  	_ =	shalt  }
0x6f: {  	_ =	shalt  }
0x70: {  	_ =	shalt  }
0x71: {  	_ =	shalt  }
0x72: {  	_ =	shalt  }
0x73: {  	_ =	shalt  }
0x74: {  	_ =	shalt  }
0x75: {  	_ =	shalt  }
0x76: {  	_ =	shalt  }
0x77: {  	_ =	shalt  }
0x78: {  	_ =	shalt  }
0x79: {  	_ =	shalt  }
0x7a: {  	_ =	shalt  }
0x7b: {  	_ =	shalt  }
0x7c: {  	_ =	shalt  }
0x7d: {  	_ =	shalt  }
0x7e: {  	_ =	shalt  }
0x7f: {  	_ =	shalt  }
0x80: {  	_ =	shalt  }
0x81: {  	_ =	shalt  }
0x82: {  	_ =	shalt  }
0x83: {  	_ =	shalt  }
0x84: {  	_ =	shalt  }
0x85: {  	_ =	shalt  }
0x86: {  	_ =	shalt  }
0x87: {  	_ =	shalt  }
.Lfunc_end0:
.L_simem_size_0:
called_computation_lowered:
.L_overlay_start_0:
0x88: {  	s2 =	sld [smem:$0x3FD9]  }
0x89: {  	s3 =	sld [smem:$0x3FFE];
	_ =	sdelay $0x1  }
0x8a: {  	s1 =	srdreg.scid  }
0x8b: {  	s0 =	sand.u32 $0x1, s1  }
0x8c: {  	s17 =	sshll.u32 s0, $0xA;
	s2 =	sadd.s32 s3, s2  }
0x8d: {  	s2 =	sadd.s32 s2, s17  }
0x8e: {  	[smem:$0x3FC2] =	sst s2  }
0x8f: {  	_ = 	snop  }
0x90: {  	s2 =	sld [smem:$0x3FD0];
	(tm) =	ssettm $0x1  }
0x91: {  	s18 =	sld [smem:$0x3FFB];
	_ =	sdelay $0x3  }
0x92: {  	_ =	strace s18  }
0x93: {  	s3 =	sld [smem:$0x3FFC];
	_ =	sdelay $0x3  }
0x94: {  	_ =	strace s3  }
0x95: {  	s3 =	sld [smem:$0x3FFD];
	_ =	sdelay $0x3  }
0x96: {  	_ =	strace s3  }
0x97: {  	_ =	strace $0x8FFFFFFF  }
0x98: {  	s19 =	sld [smem:$0x3FDB];
	_ =	sdelay $0x1  }
0x99: {  	s4 =	simm.s32 $_scs_section_size  }
0x9a: {  	s5 =	simm.s32 $_size__tile_overlayer_lowered;
	s6 =	simm.s32 $_tile_overlayer_lowered  }
0x9b: {  	s22 =	simm.s32 $0x1BFF;
	s21 =	sshll.u32 s6, $0x1;
	s3 =	sadd.s32 s4, s19  }
0x9c: {  	s7 =	simm.s32 $0x0;
	s20 =	sshll.u32 s5, $0x1;
	s5 =	sadd.s32 s21, s3  }
0x9d: {  	[timem:s7], [sflag:s22] =	dma.local [hbm:s5], s20  }
0x9e: {  	_ =	swait.ge [sflag:s22], s20  }
0x9f: {  	s4 =	ssub.s32 $0x0, s20;
	[sflag:s22] =	ssyncset.done $0x0  }
0xa0: {  	[sflag:s22] =	ssyncadd.s32 s4;
	_ =	sdelay $0x1  }
0xa1: {  	s23 =	simm.s32 $0x1B8B  }
0xa2: {  	_ =	swait.ge [sflag:s23], $0x1  }
0xa3: {  	[sflag:s23] =	ssyncset.done $0x0  }
0xa4: {  	s25 =	simm.s32 $0x1B8E;
	s24 =	sld [smem:$0x3FFE];
	[sflag:s23] =	ssyncadd.s32 $0xFFFFFFFF  }
0xa5: {  	s26 =	simm.s32 $execute0_lowered;
	[smem:$0x3FD2] =	sst s25  }
0xa6: {  	s5 =	sshll.u32 s26, $0x1;
	_ =	strace $0x80000046;
	[dreg:$0x1] =	wrdreg $0xFFFFFFFF  }
0xa7: {  	s28 =	simm.s32 $_size_execute0_lowered;
	s3 =	sadd.s32 s3, s5;
	[dreg:$0x0] =	wrdreg $0x0  }
0xa8: {  	s5 =	sshll.u32 s28, $0x1;
	[dreg:$0x2] =	wrdreg s3  }
0xa9: {  	[dreg:$0x3] =	wrdreg s5  }
0xaa: {  	[dreg:$0x4] =	wrdreg $0xC0  }
0xab: {  	_ =	task [dreg:s7], $0x5FFFF  }
0xac: {  	[dreg:$0x1] =	wrdreg $0xFFFFFFFF  }
0xad: {  	[dreg:$0x0] =	wrdreg $0x60  }
0xae: {  	[dreg:$0x2] =	wrdreg s24  }
0xaf: {  	[dreg:$0x3] =	wrdreg s2  }
0xb0: {  	[dreg:$0x4] =	wrdreg $0x9  }
0xb1: {  	_ =	task.clear_ibuf [dreg:s7], $0x5FFFF;
	_ =	strace $0x90000046  }
0xb2: {  	s29 =	simm.s32 $0x9;
	_ =	strace $0x80000048  }
0xb3: {  	_ =	swait.ge [sflag:s29], $0x1  }
0xb4: {  	[sflag:s29] =	ssyncadd.s32 $0xFFFFFFFF  }
0xb5: {  	_ =	strace $0x90000048  }
0xb6: {  	_ =	sfence  }
0xb7: {  	s30 =	sld [smem:$0x0];
	_ =	sdelay $0x2  }
0xb8: {  	s31 =	sshll.u32 s1, $0xD;
	s1 =	sshrl.u32 s1, $0x2  }
0xb9: {  	s3 =	sand.u32 $0x4000, s31;
	s1 =	sadd.s32 s1, s30  }
0xba: {  	s0 =	sor.u32 s3, s0;
	s1 =	sshll.u32 s1, $0x11  }
0xbb: {  	s0 =	sor.u32 s1, s0  }
0xbc: {  	s0 =	sadd.s32 $0x8F2B, s0  }
0xbd: {  	[sflag:s0] =	ssyncadd.remote.s32 $0x1  }
0xbe: {  	_ =	sfence.sel $0xFFFF  }
0xbf: {  	[dreg:$0x0] =	wrdreg $0xFFFFFFFF;
	(pc) =	sbr.abs _section_cstart, $3  }
0xc0: {  	[dreg:$0x1] =	wrdreg $0xFFFFFFFF  }
0xc1: {  	_ =	task.clear_ibuf [dreg:s7], $0x2FFFF;
	_ =	strace $0x9FFFFFFF  }
0xc2: {  	(tm) =	ssettm $0x7FFFFFFF  }
0xc3: {  	_ =	shalt  }
tec
execute0_lowered:
.L_overlay_start_1:
0x0: {  	(tag) =	ssettag $0x1  }
0x1: {  	s3 =	rddreg [dreg:$0x0]  }
0x2: {  	s5 =	rddreg [dreg:$0x1];
	s2 =	srdreg.scid  }
0x3: {  	s0 =	rddreg [dreg:$0x2];
	s1 =	stileid.u32  }
0x4: {  	s9 =	simm.s32 $0x2;
	s10 =	simm.s32 $0x6400;
	s11 =	simm.s32 $0x8400  }
0x5: {  	s12 =	simm.s32 $0x100;
	s13 =	simm.s32 $0xA400;
	s14 =	simm.s32 $0x180  }
0x6: {  	s15 =	simm.s32 $0xC400;
	s16 =	simm.s32 $0x200;
	s17 =	simm.s32 $0xE400  }
0x7: {  	s18 =	simm.s32 $0x280;
	s19 =	simm.s32 $0x10400;
	s20 =	simm.s32 $0x300  }
0x8: {  	s21 =	simm.s32 $0x12400;
	s22 =	simm.s32 $0x380;
	s23 =	simm.s32 $0x14400  }
0x9: {  	s24 =	simm.s32 $0x1;
	s25 =	simm.s32 $0x0;
	s4 =	sand.u32 $0x1, s2  }
0xa: {  	s2 =	simm.s32 $0x0;
	s6 =	sshll.u32 s1, $0x8;
	s7 =	sshll.u32 s4, $0x7  }
0xb: {  	[smem:$0x7FF] =	sst s2;
	s4 =	ssub.s32 $0x2, s4;
	s6 =	sor.u32 s7, s6  }
0xc: {  	_ =	strace $0x80000047;
	s8 =	sshrl.u32 s4, $0x1;
	s7 =	sshrl.u32 s6, $0x3  }
0xd: {  	s8 =	ssub.s32 s4, s8;
	s6 =	sshll.u32 s6, $0x3;
	s7 =	sadd.s32 s7, s3  }
0xe: {  	s3 =	sadd.s32 $0x19C00, s3;
	s5 =	sadd.s32 s5, s6;
	s6 =	smax.u32 s8, $0x1  }
0xf: {  	s8 =	simm.s32 $0x1000;
	s4 =	sadd.s32 $0xC00, s7;
	s7 =	simm.s32 $0x80  }
.LBB2_1:
0x10: {  	[tilespmem:s2], [sflag:$0x2] =	stream.strided.gather [hbm4b:s4+s7], $0x6400, s8, s7, $0x38;
	[tilespmem:$0x16400] =	vst v63  }
0x11: {  	_ =	swait.ge [sflag:s9], $0x6400  }
0x12: {  	[sflag:s9] =	ssyncset.done $0x0  }
0x13: {  	[sflag:s9] =	ssyncadd.s32 $0xFFFF9C00  }
0x14: {  	[tilespmem:s10], [sflag:$0x1] =	stream.indirect.gather [hbm4b:s3+s7], $0x40, s2, s7, $0xb8;
	[tilespmem:$0x16400] =	vst v63  }
0x15: {  	_ = 	snop  }
0x16: {  	[tilespmem:s11], [sflag:$0x1] =	stream.indirect.gather [hbm4b:s3+s7], $0x40, s7, s7, $0xb8;
	[tilespmem:$0x16400] =	vst v63  }
0x17: {  	_ = 	snop  }
0x18: {  	[tilespmem:s13], [sflag:$0x1] =	stream.indirect.gather [hbm4b:s3+s7], $0x40, s12, s7, $0xb8;
	[tilespmem:$0x16400] =	vst v63  }
0x19: {  	_ = 	snop  }
0x1a: {  	[tilespmem:s15], [sflag:$0x1] =	stream.indirect.gather [hbm4b:s3+s7], $0x40, s14, s7, $0xb8;
	[tilespmem:$0x16400] =	vst v63  }
0x1b: {  	_ = 	snop  }
0x1c: {  	[tilespmem:s17], [sflag:$0x1] =	stream.indirect.gather [hbm4b:s3+s7], $0x40, s16, s7, $0xb8;
	[tilespmem:$0x16400] =	vst v63  }
0x1d: {  	_ = 	snop  }
0x1e: {  	[tilespmem:s19], [sflag:$0x1] =	stream.indirect.gather [hbm4b:s3+s7], $0x40, s18, s7, $0xb8;
	[tilespmem:$0x16400] =	vst v63  }
0x1f: {  	_ = 	snop  }
0x20: {  	[tilespmem:s21], [sflag:$0x1] =	stream.indirect.gather [hbm4b:s3+s7], $0x40, s20, s7, $0xb8;
	[tilespmem:$0x16400] =	vst v63  }
0x21: {  	_ = 	snop  }
0x22: {  	[tilespmem:s23], [sflag:$0x1] =	stream.indirect.gather [hbm4b:s3+s7], $0x40, s22, s7, $0xb8;
	[tilespmem:$0x16400] =	vst v63  }
0x23: {  	_ =	swait.ge [sflag:s24], $0x2000  }
0x24: {  	[sflag:s24] =	ssyncset.done $0x0  }
0x25: {  	[sflag:s24] =	ssyncadd.s32 $0xFFFFE000  }
0x26: {  	_ =	swait.ge [sflag:s24], $0x2000  }
0x27: {  	[sflag:s24] =	ssyncset.done $0x0  }
0x28: {  	[sflag:s24] =	ssyncadd.s32 $0xFFFFE000  }
0x29: {  	_ =	swait.ge [sflag:s24], $0x2000  }
0x2a: {  	[sflag:s24] =	ssyncset.done $0x0  }
0x2b: {  	[sflag:s24] =	ssyncadd.s32 $0xFFFFE000  }
0x2c: {  	_ =	swait.ge [sflag:s24], $0x2000  }
0x2d: {  	[sflag:s24] =	ssyncset.done $0x0  }
0x2e: {  	[sflag:s24] =	ssyncadd.s32 $0xFFFFE000  }
0x2f: {  	_ =	swait.ge [sflag:s24], $0x2000  }
0x30: {  	[sflag:s24] =	ssyncset.done $0x0  }
0x31: {  	[sflag:s24] =	ssyncadd.s32 $0xFFFFE000  }
0x32: {  	_ =	swait.ge [sflag:s24], $0x2000  }
0x33: {  	[sflag:s24] =	ssyncset.done $0x0  }
0x34: {  	[sflag:s24] =	ssyncadd.s32 $0xFFFFE000  }
0x35: {  	_ =	swait.ge [sflag:s24], $0x2000  }
0x36: {  	[sflag:s24] =	ssyncset.done $0x0  }
0x37: {  	[sflag:s24] =	ssyncadd.s32 $0xFFFFE000  }
0x38: {  	_ =	swait.ge [sflag:s24], $0x2000  }
0x39: {  	[sflag:s24] =	ssyncset.done $0x0  }
0x3a: {  	s26 =	simm.s32 $0x400;
	[sflag:s24] =	ssyncadd.s32 $0xFFFFE000  }
0x3b: {  	[tilespmem:s10], [sflag:$0x1] =	stream.indirect.gather.add.f32 [hbm:s3], $0x40, s26, s7, $0xb8;
	[tilespmem:$0x16400] =	vst v63  }
0x3c: {  	s31 =	simm.s32 $0x480  }
0x3d: {  	[tilespmem:s11], [sflag:$0x1] =	stream.indirect.gather.add.f32 [hbm:s3], $0x40, s31, s7, $0xb8;
	[tilespmem:$0x16400] =	vst v63  }
0x3e: {  	s28 =	simm.s32 $0x500  }
0x3f: {  	[tilespmem:s13], [sflag:$0x1] =	stream.indirect.gather.add.f32 [hbm:s3], $0x40, s28, s7, $0xb8;
	[tilespmem:$0x16400] =	vst v63  }
0x40: {  	s31 =	simm.s32 $0x580  }
0x41: {  	[tilespmem:s15], [sflag:$0x1] =	stream.indirect.gather.add.f32 [hbm:s3], $0x40, s31, s7, $0xb8;
	[tilespmem:$0x16400] =	vst v63  }
0x42: {  	s28 =	simm.s32 $0x600  }
0x43: {  	[tilespmem:s17], [sflag:$0x1] =	stream.indirect.gather.add.f32 [hbm:s3], $0x40, s28, s7, $0xb8;
	[tilespmem:$0x16400] =	vst v63  }
0x44: {  	s31 =	simm.s32 $0x680  }
0x45: {  	[tilespmem:s19], [sflag:$0x1] =	stream.indirect.gather.add.f32 [hbm:s3], $0x40, s31, s7, $0xb8;
	[tilespmem:$0x16400] =	vst v63  }
0x46: {  	s28 =	simm.s32 $0x700  }
0x47: {  	[tilespmem:s21], [sflag:$0x1] =	stream.indirect.gather.add.f32 [hbm:s3], $0x40, s28, s7, $0xb8;
	[tilespmem:$0x16400] =	vst v63  }
0x48: {  	s31 =	simm.s32 $0x780  }
0x49: {  	[tilespmem:s23], [sflag:$0x1] =	stream.indirect.gather.add.f32 [hbm:s3], $0x40, s31, s7, $0xb8;
	[tilespmem:$0x16400] =	vst v63  }
0x4a: {  	_ =	swait.ge [sflag:s24], $0x2000  }
0x4b: {  	[sflag:s24] =	ssyncset.done $0x0  }
0x4c: {  	[sflag:s24] =	ssyncadd.s32 $0xFFFFE000  }
0x4d: {  	_ =	swait.ge [sflag:s24], $0x2000  }
0x4e: {  	[sflag:s24] =	ssyncset.done $0x0  }
0x4f: {  	[sflag:s24] =	ssyncadd.s32 $0xFFFFE000  }
0x50: {  	_ =	swait.ge [sflag:s24], $0x2000  }
0x51: {  	[sflag:s24] =	ssyncset.done $0x0  }
0x52: {  	[sflag:s24] =	ssyncadd.s32 $0xFFFFE000  }
0x53: {  	_ =	swait.ge [sflag:s24], $0x2000  }
0x54: {  	[sflag:s24] =	ssyncset.done $0x0  }
0x55: {  	[sflag:s24] =	ssyncadd.s32 $0xFFFFE000  }
0x56: {  	_ =	swait.ge [sflag:s24], $0x2000  }
0x57: {  	[sflag:s24] =	ssyncset.done $0x0  }
0x58: {  	[sflag:s24] =	ssyncadd.s32 $0xFFFFE000  }
0x59: {  	_ =	swait.ge [sflag:s24], $0x2000  }
0x5a: {  	[sflag:s24] =	ssyncset.done $0x0  }
0x5b: {  	[sflag:s24] =	ssyncadd.s32 $0xFFFFE000  }
0x5c: {  	_ =	swait.ge [sflag:s24], $0x2000  }
0x5d: {  	[sflag:s24] =	ssyncset.done $0x0  }
0x5e: {  	[sflag:s24] =	ssyncadd.s32 $0xFFFFE000  }
0x5f: {  	_ =	swait.ge [sflag:s24], $0x2000  }
0x60: {  	s30 =	simm.s32 $0x2000;
	s29 =	simm.s32 $0x400;
	[sflag:s24] =	ssyncset.done $0x0  }
.LBB2_2:
0x61: {  	s31 =	sadd.s32 $0x400, s29  }
0x62: {  	[sflag:s24] =	ssyncadd.s32 $0xFFFFE000;
	s28 =	smov.u32 s30;
	s26 =	sadd.s32 $0x1000, s30  }
0x63: {  	[tilespmem:s10], [sflag:$0x1] =	stream.indirect.gather.add.f32 [hbm:s3], $0x40, s31, s7, $0xb8;
	[tilespmem:$0x16400] =	vst v63  }
0x64: {  	p0 =	sne.s32 s30, $0x17000;
	s30 =	sadd.s32 $0x480, s29  }
0x65: {  	[tilespmem:s11], [sflag:$0x1] =	stream.indirect.gather.add.f32 [hbm:s3], $0x40, s30, s7, $0xb8;
	[tilespmem:$0x16400] =	vst v63  }
0x66: {  	s30 =	sadd.s32 $0x500, s29  }
0x67: {  	[tilespmem:s13], [sflag:$0x1] =	stream.indirect.gather.add.f32 [hbm:s3], $0x40, s30, s7, $0xb8;
	[tilespmem:$0x16400] =	vst v63  }
0x68: {  	s30 =	sadd.s32 $0x580, s29  }
0x69: {  	[tilespmem:s15], [sflag:$0x1] =	stream.indirect.gather.add.f32 [hbm:s3], $0x40, s30, s7, $0xb8;
	[tilespmem:$0x16400] =	vst v63  }
0x6a: {  	s30 =	sadd.s32 $0x600, s29  }
0x6b: {  	[tilespmem:s17], [sflag:$0x1] =	stream.indirect.gather.add.f32 [hbm:s3], $0x40, s30, s7, $0xb8;
	[tilespmem:$0x16400] =	vst v63  }
0x6c: {  	s30 =	sadd.s32 $0x680, s29  }
0x6d: {  	[tilespmem:s19], [sflag:$0x1] =	stream.indirect.gather.add.f32 [hbm:s3], $0x40, s30, s7, $0xb8;
	[tilespmem:$0x16400] =	vst v63  }
0x6e: {  	s30 =	sadd.s32 $0x700, s29  }
0x6f: {  	[tilespmem:s21], [sflag:$0x1] =	stream.indirect.gather.add.f32 [hbm:s3], $0x40, s30, s7, $0xb8;
	[tilespmem:$0x16400] =	vst v63  }
0x70: {  	s29 =	sadd.s32 $0x780, s29  }
0x71: {  	[tilespmem:s23], [sflag:$0x1] =	stream.indirect.gather.add.f32 [hbm:s3], $0x40, s29, s7, $0xb8;
	[tilespmem:$0x16400] =	vst v63  }
0x72: {  	_ =	swait.ge [sflag:s24], $0x2000  }
0x73: {  	[sflag:s24] =	ssyncset.done $0x0  }
0x74: {  	[sflag:s24] =	ssyncadd.s32 $0xFFFFE000  }
0x75: {  	_ =	swait.ge [sflag:s24], $0x2000  }
0x76: {  	[sflag:s24] =	ssyncset.done $0x0  }
0x77: {  	[sflag:s24] =	ssyncadd.s32 $0xFFFFE000  }
0x78: {  	_ =	swait.ge [sflag:s24], $0x2000  }
0x79: {  	[sflag:s24] =	ssyncset.done $0x0  }
0x7a: {  	[sflag:s24] =	ssyncadd.s32 $0xFFFFE000  }
0x7b: {  	_ =	swait.ge [sflag:s24], $0x2000  }
0x7c: {  	[sflag:s24] =	ssyncset.done $0x0  }
0x7d: {  	[sflag:s24] =	ssyncadd.s32 $0xFFFFE000  }
0x7e: {  	_ =	swait.ge [sflag:s24], $0x2000  }
0x7f: {  	[sflag:s24] =	ssyncset.done $0x0  }
0x80: {  	[sflag:s24] =	ssyncadd.s32 $0xFFFFE000  }
0x81: {  	_ =	swait.ge [sflag:s24], $0x2000  }
0x82: {  	[sflag:s24] =	ssyncset.done $0x0  }
0x83: {  	[sflag:s24] =	ssyncadd.s32 $0xFFFFE000  }
.Ltmp0:
0x84: {  	_ =	swait.ge [sflag:s24], $0x2000;
	(pc) =	sbr.rel @p0 .LBB2_2-.Ltmp0, $4  }
0x85: {  	[sflag:s24] =	ssyncset.done $0x0  }
0x86: {  	[sflag:s24] =	ssyncadd.s32 $0xFFFFE000  }
0x87: {  	_ =	swait.ge [sflag:s24], $0x2000  }
0x88: {  	s30 =	smov.u32 s26;
	s29 =	sshra.s32 s28, $0x2;
	[sflag:s24] =	ssyncset.done $0x0  }
0x89: {  	s26 =	sadd.s32 $0x400, s29;
	[sflag:s24] =	ssyncadd.s32 $0xFFFFE000  }
0x8a: {  	[tilespmem:s10], [sflag:$0x1] =	stream.indirect.gather.add.f32 [hbm:s3], $0x40, s26, s7, $0xb8;
	[tilespmem:$0x16400] =	vst v63  }
0x8b: {  	s31 =	sadd.s32 $0x480, s29  }
0x8c: {  	[tilespmem:s11], [sflag:$0x1] =	stream.indirect.gather.add.f32 [hbm:s3], $0x40, s31, s7, $0xb8;
	[tilespmem:$0x16400] =	vst v63  }
0x8d: {  	s30 =	sadd.s32 $0x500, s29  }
0x8e: {  	[tilespmem:s13], [sflag:$0x1] =	stream.indirect.gather.add.f32 [hbm:s3], $0x40, s30, s7, $0xb8;
	[tilespmem:$0x16400] =	vst v63  }
0x8f: {  	s31 =	sadd.s32 $0x580, s29  }
0x90: {  	[tilespmem:s15], [sflag:$0x1] =	stream.indirect.gather.add.f32 [hbm:s3], $0x40, s31, s7, $0xb8;
	[tilespmem:$0x16400] =	vst v63  }
0x91: {  	s30 =	sadd.s32 $0x600, s29  }
0x92: {  	[tilespmem:s17], [sflag:$0x1] =	stream.indirect.gather.add.f32 [hbm:s3], $0x40, s30, s7, $0xb8;
	[tilespmem:$0x16400] =	vst v63  }
0x93: {  	s31 =	sadd.s32 $0x680, s29  }
0x94: {  	[tilespmem:s19], [sflag:$0x1] =	stream.indirect.gather.add.f32 [hbm:s3], $0x40, s31, s7, $0xb8;
	[tilespmem:$0x16400] =	vst v63  }
0x95: {  	s30 =	sadd.s32 $0x700, s29  }
0x96: {  	[tilespmem:s21], [sflag:$0x1] =	stream.indirect.gather.add.f32 [hbm:s3], $0x40, s30, s7, $0xb8;
	[tilespmem:$0x16400] =	vst v63  }
0x97: {  	s31 =	sadd.s32 $0x780, s29  }
0x98: {  	[tilespmem:s23], [sflag:$0x1] =	stream.indirect.gather.add.f32 [hbm:s3], $0x40, s31, s7, $0xb8;
	[tilespmem:$0x16400] =	vst v63  }
0x99: {  	_ =	swait.ge [sflag:s24], $0x2000  }
0x9a: {  	[sflag:s24] =	ssyncset.done $0x0  }
0x9b: {  	[sflag:s24] =	ssyncadd.s32 $0xFFFFE000  }
0x9c: {  	_ =	swait.ge [sflag:s24], $0x2000  }
0x9d: {  	[sflag:s24] =	ssyncset.done $0x0  }
0x9e: {  	[sflag:s24] =	ssyncadd.s32 $0xFFFFE000  }
0x9f: {  	_ =	swait.ge [sflag:s24], $0x2000  }
0xa0: {  	[sflag:s24] =	ssyncset.done $0x0  }
0xa1: {  	[sflag:s24] =	ssyncadd.s32 $0xFFFFE000  }
0xa2: {  	_ =	swait.ge [sflag:s24], $0x2000  }
0xa3: {  	[sflag:s24] =	ssyncset.done $0x0  }
0xa4: {  	[sflag:s24] =	ssyncadd.s32 $0xFFFFE000  }
0xa5: {  	_ =	swait.ge [sflag:s24], $0x2000  }
0xa6: {  	[sflag:s24] =	ssyncset.done $0x0  }
0xa7: {  	[sflag:s24] =	ssyncadd.s32 $0xFFFFE000  }
0xa8: {  	_ =	swait.ge [sflag:s24], $0x2000  }
0xa9: {  	[sflag:s24] =	ssyncset.done $0x0  }
0xaa: {  	[sflag:s24] =	ssyncadd.s32 $0xFFFFE000  }
0xab: {  	_ =	swait.ge [sflag:s24], $0x2000  }
0xac: {  	[sflag:s24] =	ssyncset.done $0x0  }
0xad: {  	[sflag:s24] =	ssyncadd.s32 $0xFFFFE000  }
0xae: {  	_ =	swait.ge [sflag:s24], $0x2000  }
0xaf: {  	[sflag:s24] =	ssyncset.done $0x0  }
0xb0: {  	s26 =	simm.s32 $0x0;
	[sflag:s24] =	ssyncadd.s32 $0xFFFFE000  }
0xb1: {  	v2 =	vld [tilespmem:s26+$0x14400]  }
0xb2: {  	v0 =	vld [tilespmem:s26+$0x14410]  }
0xb3: {  	v3 =	vld [tilespmem:s26+$0x12400]  }
0xb4: {  	v1 =	vld [tilespmem:s26+$0x12410]  }
0xb5: {  	v5 =	vld [tilespmem:s26+$0x10400]  }
0xb6: {  	v4 =	vld [tilespmem:s26+$0x10410]  }
0xb7: {  	v7 =	vld [tilespmem:s26+$0xE400]  }
0xb8: {  	v6 =	vld [tilespmem:s26+$0xE410]  }
0xb9: {  	v9 =	vld [tilespmem:s26+$0xC400]  }
0xba: {  	v8 =	vld [tilespmem:s26+$0xC410]  }
0xbb: {  	v11 =	vld [tilespmem:s26+$0xA400]  }
0xbc: {  	v10 =	vld [tilespmem:s26+$0xA410]  }
0xbd: {  	v15 =	vld [tilespmem:s26+$0x8400]  }
0xbe: {  	v14 =	vld [tilespmem:s26+$0x8410]  }
0xbf: {  	v13 =	vld [tilespmem:s26+$0x8420]  }
0xc0: {  	v12 =	vld [tilespmem:s26+$0x8430]  }
0xc1: {  	v18 =	vld [tilespmem:s26+$0x6400]  }
0xc2: {  	v17 =	vld [tilespmem:s26+$0x6410]  }
0xc3: {  	s28 =	simm.s32 $0x100;
	v16 =	vld [tilespmem:s26+$0x6420]  }
.LBB2_4:
0xc4: {  	p0 =	sne.s32 s28, $0x7F00;
	v19 =	vld [tilespmem:s26+$0x6430]  }
0xc5: {  	v20 =	vld [tilespmem:s26+$0xA420]  }
0xc6: {  	v15 =	vadd.f32 v15, v18;
	v18 =	vld [tilespmem:s26+$0xA430]  }
0xc7: {  	v14 =	vadd.f32 v14, v17;
	v17 =	vld [tilespmem:s26+$0xC420]  }
0xc8: {  	v11 =	vadd.f32 v11, v15;
	v13 =	vadd.f32 v13, v16;
	v15 =	vld [tilespmem:s26+$0xC430]  }
0xc9: {  	v10 =	vadd.f32 v10, v14;
	v14 =	vld [tilespmem:s26+$0xE420];
	v12 =	vadd.f32 v12, v19  }
0xca: {  	v9 =	vadd.f32 v9, v11;
	v11 =	vadd.f32 v20, v13;
	v13 =	vld [tilespmem:s26+$0xE430]  }
0xcb: {  	v8 =	vadd.f32 v8, v10;
	v10 =	vld [tilespmem:s26+$0x10420];
	v12 =	vadd.f32 v18, v12  }
0xcc: {  	v7 =	vadd.f32 v7, v9;
	v9 =	vadd.f32 v17, v11;
	v11 =	vld [tilespmem:s26+$0x10430]  }
0xcd: {  	v6 =	vadd.f32 v6, v8;
	v8 =	vld [tilespmem:s26+$0x12420];
	v12 =	vadd.f32 v15, v12  }
0xce: {  	v5 =	vadd.f32 v5, v7;
	v7 =	vadd.f32 v14, v9;
	v9 =	vld [tilespmem:s26+$0x12430]  }
0xcf: {  	v4 =	vadd.f32 v4, v6;
	v6 =	vld [tilespmem:s26+$0x14420];
	v12 =	vadd.f32 v13, v12  }
0xd0: {  	s29 =	sshra.s32 s28, $0x2;
	v3 =	vadd.f32 v3, v5;
	v5 =	vadd.f32 v10, v7;
	v7 =	vld [tilespmem:s26+$0x14430]  }
0xd1: {  	v10 =	vld [tilespmem:s29+$0x14400];
	v1 =	vadd.f32 v1, v4;
	v4 =	vadd.f32 v11, v12  }
0xd2: {  	v11 =	vld [tilespmem:s29+$0x14410];
	v2 =	vadd.f32 v2, v3;
	v5 =	vadd.f32 v8, v5  }
0xd3: {  	v3 =	vld [tilespmem:s29+$0x12400];
	v0 =	vadd.f32 v0, v1;
	v4 =	vadd.f32 v9, v4  }
0xd4: {  	v1 =	vld [tilespmem:s29+$0x12410];
	[tilespmem:s26+$0x6400] =	vst v2;
	v6 =	vadd.f32 v6, v5  }
0xd5: {  	v5 =	vld [tilespmem:s29+$0x10400];
	[tilespmem:s26+$0x6410] =	vst v0;
	v8 =	vadd.f32 v7, v4  }
0xd6: {  	v4 =	vld [tilespmem:s29+$0x10410];
	[tilespmem:s26+$0x6420] =	vst v6;
	v2 =	vmov v10  }
0xd7: {  	v7 =	vld [tilespmem:s29+$0xE400];
	[tilespmem:s26+$0x6430] =	vst v8;
	v0 =	vmov v11;
	s26 =	smov.u32 s29  }
0xd8: {  	v6 =	vld [tilespmem:s26+$0xE410]  }
0xd9: {  	v9 =	vld [tilespmem:s26+$0xC400]  }
0xda: {  	v8 =	vld [tilespmem:s26+$0xC410]  }
0xdb: {  	v11 =	vld [tilespmem:s26+$0xA400]  }
0xdc: {  	v10 =	vld [tilespmem:s26+$0xA410]  }
0xdd: {  	v15 =	vld [tilespmem:s26+$0x8400]  }
0xde: {  	v14 =	vld [tilespmem:s26+$0x8410]  }
.Ltmp1:
0xdf: {  	v13 =	vld [tilespmem:s26+$0x8420];
	(pc) =	sbr.rel @p0 .LBB2_4-.Ltmp1, $4  }
0xe0: {  	v12 =	vld [tilespmem:s26+$0x8430]  }
0xe1: {  	v18 =	vld [tilespmem:s26+$0x6400]  }
0xe2: {  	v17 =	vld [tilespmem:s26+$0x6410]  }
0xe3: {  	s28 =	sadd.s32 $0x100, s28;
	v16 =	vld [tilespmem:s26+$0x6420]  }
0xe4: {  	v19 =	vld [tilespmem:s26+$0x6430]  }
0xe5: {  	v20 =	vld [tilespmem:s26+$0xA420]  }
0xe6: {  	v44 =	vld [tilespmem:s26+$0xA430];
	v15 =	vadd.f32 v15, v18  }
0xe7: {  	v45 =	vld [tilespmem:s26+$0xC420];
	v14 =	vadd.f32 v14, v17  }
0xe8: {  	v46 =	vld [tilespmem:s26+$0xC430];
	v11 =	vadd.f32 v11, v15;
	v13 =	vadd.f32 v13, v16  }
0xe9: {  	v47 =	vld [tilespmem:s26+$0xE420];
	v10 =	vadd.f32 v10, v14;
	v12 =	vadd.f32 v12, v19  }
0xea: {  	v49 =	vld [tilespmem:s26+$0xE430];
	v9 =	vadd.f32 v9, v11;
	v48 =	vadd.f32 v20, v13  }
0xeb: {  	v50 =	vld [tilespmem:s26+$0x10420];
	v8 =	vadd.f32 v8, v10;
	v12 =	vadd.f32 v44, v12  }
0xec: {  	v52 =	vld [tilespmem:s26+$0x10430];
	v7 =	vadd.f32 v7, v9;
	v51 =	vadd.f32 v45, v48  }
0xed: {  	v53 =	vld [tilespmem:s26+$0x12420];
	v6 =	vadd.f32 v6, v8;
	v12 =	vadd.f32 v46, v12  }
0xee: {  	v55 =	vld [tilespmem:s26+$0x12430];
	v5 =	vadd.f32 v5, v7;
	v54 =	vadd.f32 v47, v51  }
0xef: {  	v56 =	vld [tilespmem:s26+$0x14420];
	v4 =	vadd.f32 v4, v6;
	v12 =	vadd.f32 v49, v12  }
0xf0: {  	v58 =	vld [tilespmem:s26+$0x14430];
	v3 =	vadd.f32 v3, v5;
	v57 =	vadd.f32 v50, v54  }
0xf1: {  	v1 =	vadd.f32 v1, v4;
	v59 =	vadd.f32 v52, v12  }
0xf2: {  	v2 =	vadd.f32 v2, v3;
	v60 =	vadd.f32 v53, v57  }
0xf3: {  	v0 =	vadd.f32 v0, v1;
	v61 =	vadd.f32 v55, v59  }
0xf4: {  	[tilespmem:s26+$0x6400] =	vst v2;
	v62 =	vadd.f32 v56, v60  }
0xf5: {  	s25 =	sadd.s32 $0x1, s25;
	[tilespmem:s26+$0x6410] =	vst v0;
	v63 =	vadd.f32 v58, v61  }
0xf6: {  	p0 =	sne.s32 s25, s6;
	[tilespmem:s26+$0x6420] =	vst v62  }
.Ltmp2:
0xf7: {  	[tilespmem:s26+$0x6430] =	vst v63;
	(pc) =	sbr.rel @p0 .LBB2_1-.Ltmp2, $4  }
0xf8: {  	[hbm4b:s5+s2] =	stream.linear.scatter [tilespmem:s10], [sflag:$0x2], $0x2000, $0x38;
	[tilespmem:$0x16400] =	vst v63  }
0xf9: {  	_ =	swait.ge [sflag:s9], $0x2000  }
0xfa: {  	[sflag:s9] =	ssyncset.done $0x0  }
0xfb: {  	[sflag:s9] =	ssyncadd.s32 $0xFFFFE000  }
0xfc: {  	_ =	sfence.sel $0x180000  }
0xfd: {  	[bflag:$0x0] =	sbarrier.arrive $0xFFFF  }
0xfe: {  	p0 =	sne.s32 s1, $0x0;
	_ =	strace $0x90000047  }
0xff: {  	s0 =	sadd.s32 @!p0 $0x100000, s0;
	[bflag:$0x2] =	sbarrier.arrive $0xFFFF  }
0x100: {  	[sflag:s0] =	ssyncadd.tile.s32 @!p0 $0x1;
	_ =	shalt  }
.Lfunc_end2:
_tile_overlayer_lowered:
.L_overlay_start_2:
0x101: {  	(tag) =	ssettag $0x2  }
0x102: {  	s0 =	rddreg [dreg:$0x0];
	s2 =	stileid.u32  }
0x103: {  	s1 =	rddreg [dreg:$0x1];
	p0 =	sne.s32 s2, $0x0  }
0x104: {  	s3 =	rddreg [dreg:$0x2];
	[bflag:$0x3] =	sbarrier.arrive $0xFFFF;
	s2 =	simm.s32 @!p0 $0x1C02  }
0x105: {  	[timem:s3], [sflag:s2] =	dma.local @!p0 [hbm:s0], s1  }
0x106: {  	s0 =	simm.s32 @!p0 $0x2  }
0x107: {  	_ =	swait.ge @!p0 [sflag:s0], s1  }
0x108: {  	s1 =	ssub.s32 @!p0 $0x0, s1;
	[sflag:s0] =	ssyncset.done @!p0 $0x0  }
0x109: {  	[sflag:s0] =	ssyncadd.s32 @!p0 s1  }
0x10a: {  	[bflag:$0x3] =	sbarrier.arrive $0xFFFF  }
0x10b: {  	_ =	shalt  }

</sc_bundles>
